<compile_context>
chip_gen: v7x
topology: tpu7x:2x2x1
jax: 0.10.2.dev20260603
libtpu: 0.0.44.dev20260713+nightly
codegen_flags: <defaults>
</compile_context>

<pallas_src>
import functools

import jax
import jax.numpy as jnp
from jax import lax
from jax.experimental import pallas as pl
from jax.experimental.pallas import tpu as pltpu
from jax.experimental.pallas import tpu_sc as plsc

S, B, D = 26, 4096, 128
W = D + 1

NC, NS = 2, 16
NW = NC * NS
CB = B // NW
TB = 32
NBLK = CB // TB

_mesh = plsc.VectorSubcoreMesh(
    core_axis_name="c", subcore_axis_name="s", num_cores=NC, num_subcores=NS
)


@functools.partial(
    pl.kernel,
    out_type=jax.ShapeDtypeStruct((B, S, W), jnp.float32),
    mesh=_mesh,
    scratch_types=[
        pltpu.VMEM((S, CB), jnp.int32),
        pltpu.VMEM((1, TB, S, W), jnp.float32),
        pltpu.SemaphoreType.DMA,
        pltpu.SemaphoreType.DMA,
        pltpu.SemaphoreType.DMA,
    ],
    compiler_params=pltpu.CompilerParams(
        use_tc_tiling_on_sc=False, needs_layout_passes=False
    ),
)
def _fuse(x_hbm, tasks_hbm, out_hbm, ti, stg, sem_in, sem_o0, sem_o1):
    wid = lax.axis_index("s") * NC + lax.axis_index("c")
    base = wid * CB
    lane = lax.iota(jnp.int32, 16)
    col_d = jnp.full((16,), D, jnp.int32)
    sem_out = (sem_o0, sem_o1)

    pltpu.sync_copy(tasks_hbm.at[:, pl.ds(base, CB)], ti)

    def fire_in(blk, buf):
        b0 = base + blk * TB

        def _fire(s_i, _):
            pltpu.async_copy(
                x_hbm.at[s_i, pl.ds(b0, TB), :],
                stg.at[buf, :, s_i, pl.ds(0, D)],
                sem_in,
            )
            return 0

        lax.fori_loop(0, S, _fire, 0)

    def drain_in(buf):
        pltpu.make_async_copy(
            x_hbm.at[pl.ds(0, TB), pl.ds(0, S), :],
            stg.at[buf, :, :, pl.ds(0, D)],
            sem_in,
        ).wait()

    def taskcol(blk, buf):
        def _one(s_i, _):
            for j in range(TB // 16):
                t = ti[s_i, pl.ds(blk * TB + j * 16, 16)]
                vals = (1 - 2 * t).astype(jnp.float32)
                plsc.store_scatter(
                    stg.at[buf],
                    [lane + j * 16, jnp.full((16,), s_i, jnp.int32), col_d],
                    vals,
                )
            return 0

        lax.fori_loop(0, S, _one, 0)

    def out_copy(blk, buf):
        return pltpu.make_async_copy(
            stg.at[buf], out_hbm.at[pl.ds(base + blk * TB, TB)], sem_out[buf]
        )

    for blk in range(NBLK):
        fire_in(blk, 0)
        drain_in(0)
        taskcol(blk, 0)
        out_copy(blk, 0).start()
        out_copy(blk, 0).wait()


def kernel(x, tasks):
    return _fuse(x, tasks).reshape(B, S * W)

# --- scband reference (transcript-rebuilt; emitter-appended) ---
"""Pipeline reference for scband-embedding-fusor-2327872274889 (READ-ONLY COPY).

The authoritative reference and input builder live on the scoring server;
editing this copy changes nothing except your own understanding.
"""

import jax, jax.numpy as jnp
import numpy as np

S, B, D = 26, 4096, 128
D_TASK = 1


def setup_inputs(seed: int = 0) -> dict:
    key = jax.random.key(seed)
    k1, k2 = jax.random.split(key)
    x = jax.random.normal(k1, (S, B, D), dtype=jnp.float32)
    # tasks encoded as ints: 0 -> 'extract' (maps to +1), 1 -> 'remove' (maps to -1)
    tasks = jax.random.randint(k2, (S, B), 0, 2, dtype=jnp.int32)
    return {"x": x, "tasks": tasks}


def reference(x, tasks):
    # Faithful vectorized translation of EmbeddingFusor.forward (mode='cat').
    # Original builds y[b, s, :D] = x[s][b] and y[b, s, D] = task2int[tasks[s][b]]
    # then flattens to (B, S*(D+d_task)).
    s, b, d = x.shape
    task_vals = (1 - 2 * tasks).astype(jnp.float32)  # 0->+1 ('extract'), 1->-1 ('remove')
    y = jnp.zeros((b, s, d + D_TASK), dtype=jnp.float32)
    y = y.at[:, :, :d].add(jnp.transpose(x, (1, 0, 2)))
    y = y.at[:, :, d].add(jnp.transpose(task_vals, (1, 0)))
    y = y.reshape(b, -1)
    return y

if __name__ == "__main__":
    import jax
    _d = setup_inputs()
    print(jax.jit(kernel)(*tuple(_d.values())))

</pallas_src>

<mosaic_0001>
#map = affine_map<(d0, d1) -> (0, 0, 0)>
#map1 = affine_map<(d0, d1) -> (0, 0)>
module attributes {stable_mosaic.version = 14 : i64} {
  func.func @_fuse(%arg0: i32, %arg1: i32, %arg2: memref<26x4096x128xf32, #tpu.memory_space<hbm>>, %arg3: memref<26x4096xi32, #tpu.memory_space<hbm>>, %arg4: memref<4096x26x129xf32, #tpu.memory_space<hbm>>, %arg5: memref<26x128xi32, #tpu.memory_space<vmem>>, %arg6: memref<1x32x26x129xf32, #tpu.memory_space<vmem>>, %arg7: memref<!tpu.dma_semaphore, #tpu.memory_space<semaphore_mem>>, %arg8: memref<!tpu.dma_semaphore, #tpu.memory_space<semaphore_mem>>, %arg9: memref<!tpu.dma_semaphore, #tpu.memory_space<semaphore_mem>>) attributes {dimension_semantics = [#tpu.dimension_semantics<core_parallel>, #tpu.dimension_semantics<subcore_parallel>], iteration_bounds = array<i64: 2, 16>, scalar_prefetch = 0 : i64, scratch_operands = 5 : i64, tpu.core_type = #tpu.core_type<sc_vector_subcore>, window_params = [{transform_indices = #map}, {transform_indices = #map1}, {transform_indices = #map}]} {
    %mul3A = arith.constant 2 : i32
    %mul3A_0 = arith.muli %arg1, %mul3A : i32
    %add3A = arith.addi %mul3A_0, %arg0 : i32
    %mul3A_1 = arith.constant 128 : i32
    %mul3A_2 = arith.muli %add3A, %mul3A_1 : i32
    %iota3A = tpu.iota {dimensions = array<i32: 0>} : vector<16xi32>
    %broadcast_in_dim3A = arith.constant 128 : i32
    %broadcast_in_dim3A_3 = vector.broadcast %broadcast_in_dim3A : i32 to vector<16xi32>
    "tpu.region"() ({
      %run_scoped3A = tpu.sem_alloc : memref<!tpu.dma_semaphore, #tpu.memory_space<semaphore_mem>>
      %dma_start3A_293 = arith.constant 0 : i32
      %dma_start3A_294 = tpu.memref_slice %arg3[%dma_start3A_293, %mul3A_2] : memref<26x4096xi32, #tpu.memory_space<hbm>> -> memref<26x128xi32, #tpu.memory_space<hbm>>
      %dma_start3A_295 = arith.constant 0 : i32
      %dma_start3A_296 = tpu.memref_slice %arg3[%dma_start3A_295, %mul3A_2] : memref<26x4096xi32, #tpu.memory_space<hbm>> -> memref<26x128xi32, #tpu.memory_space<hbm>>
      tpu.enqueue_dma source(%dma_start3A_296 : memref<26x128xi32, #tpu.memory_space<hbm>>) target(%arg5 : memref<26x128xi32, #tpu.memory_space<vmem>>) target_semaphore(%run_scoped3A : memref<!tpu.dma_semaphore, #tpu.memory_space<semaphore_mem>>)
      %dma_wait3A_297 = arith.constant 0 : i32
      %dma_wait3A_298 = tpu.memref_slice %arg3[%dma_wait3A_297, %mul3A_2] : memref<26x4096xi32, #tpu.memory_space<hbm>> -> memref<26x128xi32, #tpu.memory_space<hbm>>
      %dma_wait3A_299 = arith.constant 0 : i32
      %dma_wait3A_300 = tpu.memref_slice %arg3[%dma_wait3A_299, %mul3A_2] : memref<26x4096xi32, #tpu.memory_space<hbm>> -> memref<26x128xi32, #tpu.memory_space<hbm>>
      tpu.wait_dma2 semaphore(%run_scoped3A : memref<!tpu.dma_semaphore, #tpu.memory_space<semaphore_mem>>) src(%dma_wait3A_300 : memref<26x128xi32, #tpu.memory_space<hbm>>) dst(%arg5 : memref<26x128xi32, #tpu.memory_space<vmem>>)
      tpu.yield
    }) : () -> ()
    %add3A_4 = arith.constant 0 : i32
    %add3A_5 = arith.addi %mul3A_2, %add3A_4 : i32
    %scan3A = arith.constant 0 : i32
    %scan3A_6 = arith.constant 0 : i32
    %scan3A_7 = arith.constant 26 : i32
    %scan3A_8 = arith.addi %scan3A_6, %scan3A_7 : i32
    %scan3A_9 = arith.constant 1 : i32
    %scan3A_10 = scf.for %scan3A_293 = %scan3A_6 to %scan3A_8 step %scan3A_9 iter_args(%scan3A_294 = %scan3A) -> (i32)  : i32 {
      %dma_start3A_295 = arith.constant 0 : i32
      %dma_start3A_296 = arith.constant 0 : i32
      %dma_start3A_297 = arith.constant 0 : i32
      %dma_start3A_298 = tpu.memref_slice %arg6[%dma_start3A_295, %dma_start3A_296, %scan3A_293, %dma_start3A_297] : memref<1x32x26x129xf32, #tpu.memory_space<vmem>> -> memref<1x32x1x128xf32, #tpu.memory_space<vmem>>
      %dma_start3A_299 = tpu.memref_squeeze %dma_start3A_298 : memref<1x32x1x128xf32, #tpu.memory_space<vmem>> -> memref<32x128xf32, #tpu.memory_space<vmem>>
      %dma_start3A_300 = arith.constant 0 : i32
      %dma_start3A_301 = tpu.memref_slice %arg2[%scan3A_293, %add3A_5, %dma_start3A_300] : memref<26x4096x128xf32, #tpu.memory_space<hbm>> -> memref<1x32x128xf32, #tpu.memory_space<hbm>>
      %dma_start3A_302 = tpu.memref_squeeze %dma_start3A_301 : memref<1x32x128xf32, #tpu.memory_space<hbm>> -> memref<32x128xf32, #tpu.memory_space<hbm>>
      %dma_start3A_303 = arith.constant 0 : i32
      %dma_start3A_304 = arith.constant 0 : i32
      %dma_start3A_305 = tpu.memref_slice %arg6[%dma_start3A_295, %dma_start3A_303, %scan3A_293, %dma_start3A_304] : memref<1x32x26x129xf32, #tpu.memory_space<vmem>> -> memref<1x32x1x128xf32, #tpu.memory_space<vmem>>
      %dma_start3A_306 = tpu.memref_squeeze %dma_start3A_305 : memref<1x32x1x128xf32, #tpu.memory_space<vmem>> -> memref<32x128xf32, #tpu.memory_space<vmem>>
      %dma_start3A_307 = arith.constant 0 : i32
      %dma_start3A_308 = tpu.memref_slice %arg2[%scan3A_293, %add3A_5, %dma_start3A_307] : memref<26x4096x128xf32, #tpu.memory_space<hbm>> -> memref<1x32x128xf32, #tpu.memory_space<hbm>>
      %dma_start3A_309 = tpu.memref_squeeze %dma_start3A_308 : memref<1x32x128xf32, #tpu.memory_space<hbm>> -> memref<32x128xf32, #tpu.memory_space<hbm>>
      tpu.enqueue_dma source(%dma_start3A_309 : memref<32x128xf32, #tpu.memory_space<hbm>>) target(%dma_start3A_306 : memref<32x128xf32, #tpu.memory_space<vmem>>) target_semaphore(%arg7 : memref<!tpu.dma_semaphore, #tpu.memory_space<semaphore_mem>>)
      %scan3A_310 = arith.constant 0 : i32
      scf.yield %scan3A_310 : i32
    }
    %scan3A_11 = arith.constant 26 : i32
    %dma_wait3A = arith.constant 0 : i32
    %dma_wait3A_12 = arith.constant 0 : i32
    %dma_wait3A_13 = arith.constant 0 : i32
    %dma_wait3A_14 = arith.constant 0 : i32
    %dma_wait3A_15 = tpu.memref_slice %arg6[%dma_wait3A, %dma_wait3A_12, %dma_wait3A_13, %dma_wait3A_14] : memref<1x32x26x129xf32, #tpu.memory_space<vmem>> -> memref<1x32x26x128xf32, #tpu.memory_space<vmem>>
    %dma_wait3A_16 = tpu.memref_squeeze %dma_wait3A_15 : memref<1x32x26x128xf32, #tpu.memory_space<vmem>> -> memref<32x26x128xf32, #tpu.memory_space<vmem>>
    %dma_wait3A_17 = arith.constant 0 : i32
    %dma_wait3A_18 = arith.constant 0 : i32
    %dma_wait3A_19 = arith.constant 0 : i32
    %dma_wait3A_20 = tpu.memref_slice %arg2[%dma_wait3A_17, %dma_wait3A_18, %dma_wait3A_19] : memref<26x4096x128xf32, #tpu.memory_space<hbm>> -> memref<32x26x128xf32, #tpu.memory_space<hbm>>
    %dma_wait3A_21 = arith.constant 0 : i32
    %dma_wait3A_22 = arith.constant 0 : i32
    %dma_wait3A_23 = arith.constant 0 : i32
    %dma_wait3A_24 = tpu.memref_slice %arg6[%dma_wait3A, %dma_wait3A_21, %dma_wait3A_22, %dma_wait3A_23] : memref<1x32x26x129xf32, #tpu.memory_space<vmem>> -> memref<1x32x26x128xf32, #tpu.memory_space<vmem>>
    %dma_wait3A_25 = tpu.memref_squeeze %dma_wait3A_24 : memref<1x32x26x128xf32, #tpu.memory_space<vmem>> -> memref<32x26x128xf32, #tpu.memory_space<vmem>>
    %dma_wait3A_26 = arith.constant 0 : i32
    %dma_wait3A_27 = arith.constant 0 : i32
    %dma_wait3A_28 = arith.constant 0 : i32
    %dma_wait3A_29 = tpu.memref_slice %arg2[%dma_wait3A_26, %dma_wait3A_27, %dma_wait3A_28] : memref<26x4096x128xf32, #tpu.memory_space<hbm>> -> memref<32x26x128xf32, #tpu.memory_space<hbm>>
    tpu.wait_dma2 semaphore(%arg7 : memref<!tpu.dma_semaphore, #tpu.memory_space<semaphore_mem>>) src(%dma_wait3A_29 : memref<32x26x128xf32, #tpu.memory_space<hbm>>) dst(%dma_wait3A_25 : memref<32x26x128xf32, #tpu.memory_space<vmem>>)
    %scan3A_30 = arith.constant 0 : i32
    %scan3A_31 = arith.constant 0 : i32
    %scan3A_32 = arith.constant 26 : i32
    %scan3A_33 = arith.addi %scan3A_31, %scan3A_32 : i32
    %scan3A_34 = arith.constant 1 : i32
    %scan3A_35 = scf.for %scan3A_293 = %scan3A_31 to %scan3A_33 step %scan3A_34 iter_args(%scan3A_294 = %scan3A_30) -> (i32)  : i32 {
      %get3A = arith.index_cast %scan3A_293 : i32 to index
      %get3A_295 = arith.constant 0 : index
      %get3A_296 = tpu.vector_load %arg5[%get3A, %get3A_295] {strides = array<i32>} : memref<26x128xi32, #tpu.memory_space<vmem>>, vector<16xi32>,
      %mul3A_297 = arith.constant 2 : i32
      %mul3A_298 = vector.broadcast %mul3A_297 : i32 to vector<16xi32>
      %mul3A_299 = arith.muli %mul3A_298, %get3A_296 : vector<16xi32>
      %sub3A = arith.constant 1 : i32
      %sub3A_300 = vector.broadcast %sub3A : i32 to vector<16xi32>
      %sub3A_301 = arith.subi %sub3A_300, %mul3A_299 : vector<16xi32>
      %convert_element_type3A = arith.sitofp %sub3A_301 : vector<16xi32> to vector<16xf32>
      %add3A_302 = arith.constant 0 : i32
      %add3A_303 = vector.broadcast %add3A_302 : i32 to vector<16xi32>
      %add3A_304 = arith.addi %iota3A, %add3A_303 : vector<16xi32>
      %broadcast_in_dim3A_305 = vector.broadcast %scan3A_293 : i32 to vector<16xi32>
      %scatter3A = arith.constant 0 : i32
      %scatter3A_306 = arith.constant 0 : i32
      %scatter3A_307 = arith.constant 0 : i32
      %scatter3A_308 = arith.constant 0 : i32
      %scatter3A_309 = tpu.memref_slice %arg6[%scatter3A, %scatter3A_306, %scatter3A_307, %scatter3A_308] : memref<1x32x26x129xf32, #tpu.memory_space<vmem>> -> memref<1x32x26x129xf32, #tpu.memory_space<vmem>>
      %scatter3A_310 = tpu.memref_squeeze %scatter3A_309 : memref<1x32x26x129xf32, #tpu.memory_space<vmem>> -> memref<32x26x129xf32, #tpu.memory_space<vmem>>
      tpu.vector_store_idx %scatter3A_310[%add3A_304, %broadcast_in_dim3A_305, %broadcast_in_dim3A_3], %convert_element_type3A : memref<32x26x129xf32, #tpu.memory_space<vmem>>[vector<16xi32>, vector<16xi32>, vector<16xi32>], vector<16xf32>,
      %get3A_311 = arith.index_cast %scan3A_293 : i32 to index
      %get3A_312 = arith.constant 16 : index
      %get3A_313 = tpu.vector_load %arg5[%get3A_311, %get3A_312] {strides = array<i32>} : memref<26x128xi32, #tpu.memory_space<vmem>>, vector<16xi32>,
      %mul3A_314 = arith.constant 2 : i32
      %mul3A_315 = vector.broadcast %mul3A_314 : i32 to vector<16xi32>
      %mul3A_316 = arith.muli %mul3A_315, %get3A_313 : vector<16xi32>
      %sub3A_317 = arith.constant 1 : i32
      %sub3A_318 = vector.broadcast %sub3A_317 : i32 to vector<16xi32>
      %sub3A_319 = arith.subi %sub3A_318, %mul3A_316 : vector<16xi32>
      %convert_element_type3A_320 = arith.sitofp %sub3A_319 : vector<16xi32> to vector<16xf32>
      %add3A_321 = arith.constant 16 : i32
      %add3A_322 = vector.broadcast %add3A_321 : i32 to vector<16xi32>
      %add3A_323 = arith.addi %iota3A, %add3A_322 : vector<16xi32>
      %broadcast_in_dim3A_324 = vector.broadcast %scan3A_293 : i32 to vector<16xi32>
      %scatter3A_325 = arith.constant 0 : i32
      %scatter3A_326 = arith.constant 0 : i32
      %scatter3A_327 = arith.constant 0 : i32
      %scatter3A_328 = arith.constant 0 : i32
      %scatter3A_329 = tpu.memref_slice %arg6[%scatter3A_325, %scatter3A_326, %scatter3A_327, %scatter3A_328] : memref<1x32x26x129xf32, #tpu.memory_space<vmem>> -> memref<1x32x26x129xf32, #tpu.memory_space<vmem>>
      %scatter3A_330 = tpu.memref_squeeze %scatter3A_329 : memref<1x32x26x129xf32, #tpu.memory_space<vmem>> -> memref<32x26x129xf32, #tpu.memory_space<vmem>>
      tpu.vector_store_idx %scatter3A_330[%add3A_323, %broadcast_in_dim3A_324, %broadcast_in_dim3A_3], %convert_element_type3A_320 : memref<32x26x129xf32, #tpu.memory_space<vmem>>[vector<16xi32>, vector<16xi32>, vector<16xi32>], vector<16xf32>,
      %scan3A_331 = arith.constant 0 : i32
      scf.yield %scan3A_331 : i32
    }
    %scan3A_36 = arith.constant 26 : i32
    %add3A_37 = arith.constant 0 : i32
    %add3A_38 = arith.addi %mul3A_2, %add3A_37 : i32
    %dma_start3A = arith.constant 0 : i32
    %dma_start3A_39 = arith.constant 0 : i32
    %dma_start3A_40 = arith.constant 0 : i32
    %dma_start3A_41 = arith.constant 0 : i32
    %dma_start3A_42 = tpu.memref_slice %arg6[%dma_start3A, %dma_start3A_39, %dma_start3A_40, %dma_start3A_41] : memref<1x32x26x129xf32, #tpu.memory_space<vmem>> -> memref<1x32x26x129xf32, #tpu.memory_space<vmem>>
    %dma_start3A_43 = tpu.memref_squeeze %dma_start3A_42 : memref<1x32x26x129xf32, #tpu.memory_space<vmem>> -> memref<32x26x129xf32, #tpu.memory_space<vmem>>
    %dma_start3A_44 = arith.constant 0 : i32
    %dma_start3A_45 = arith.constant 0 : i32
    %dma_start3A_46 = tpu.memref_slice %arg4[%add3A_38, %dma_start3A_44, %dma_start3A_45] : memref<4096x26x129xf32, #tpu.memory_space<hbm>> -> memref<32x26x129xf32, #tpu.memory_space<hbm>>
    %dma_start3A_47 = arith.constant 0 : i32
    %dma_start3A_48 = arith.constant 0 : i32
    %dma_start3A_49 = tpu.memref_slice %arg4[%add3A_38, %dma_start3A_47, %dma_start3A_48] : memref<4096x26x129xf32, #tpu.memory_space<hbm>> -> memref<32x26x129xf32, #tpu.memory_space<hbm>>
    %dma_start3A_50 = arith.constant 0 : i32
    %dma_start3A_51 = arith.constant 0 : i32
    %dma_start3A_52 = arith.constant 0 : i32
    %dma_start3A_53 = tpu.memref_slice %arg6[%dma_start3A, %dma_start3A_50, %dma_start3A_51, %dma_start3A_52] : memref<1x32x26x129xf32, #tpu.memory_space<vmem>> -> memref<1x32x26x129xf32, #tpu.memory_space<vmem>>
    %dma_start3A_54 = tpu.memref_squeeze %dma_start3A_53 : memref<1x32x26x129xf32, #tpu.memory_space<vmem>> -> memref<32x26x129xf32, #tpu.memory_space<vmem>>
    tpu.enqueue_dma source(%dma_start3A_54 : memref<32x26x129xf32, #tpu.memory_space<vmem>>) target(%dma_start3A_49 : memref<32x26x129xf32, #tpu.memory_space<hbm>>) target_semaphore(%arg8 : memref<!tpu.dma_semaphore, #tpu.memory_space<semaphore_mem>>)
    %add3A_55 = arith.constant 0 : i32
    %add3A_56 = arith.addi %mul3A_2, %add3A_55 : i32
    %dma_wait3A_57 = arith.constant 0 : i32
    %dma_wait3A_58 = arith.constant 0 : i32
    %dma_wait3A_59 = arith.constant 0 : i32
    %dma_wait3A_60 = arith.constant 0 : i32
    %dma_wait3A_61 = tpu.memref_slice %arg6[%dma_wait3A_57, %dma_wait3A_58, %dma_wait3A_59, %dma_wait3A_60] : memref<1x32x26x129xf32, #tpu.memory_space<vmem>> -> memref<1x32x26x129xf32, #tpu.memory_space<vmem>>
    %dma_wait3A_62 = tpu.memref_squeeze %dma_wait3A_61 : memref<1x32x26x129xf32, #tpu.memory_space<vmem>> -> memref<32x26x129xf32, #tpu.memory_space<vmem>>
    %dma_wait3A_63 = arith.constant 0 : i32
    %dma_wait3A_64 = arith.constant 0 : i32
    %dma_wait3A_65 = tpu.memref_slice %arg4[%add3A_56, %dma_wait3A_63, %dma_wait3A_64] : memref<4096x26x129xf32, #tpu.memory_space<hbm>> -> memref<32x26x129xf32, #tpu.memory_space<hbm>>
    %dma_wait3A_66 = arith.constant 0 : i32
    %dma_wait3A_67 = arith.constant 0 : i32
    %dma_wait3A_68 = tpu.memref_slice %arg4[%add3A_56, %dma_wait3A_66, %dma_wait3A_67] : memref<4096x26x129xf32, #tpu.memory_space<hbm>> -> memref<32x26x129xf32, #tpu.memory_space<hbm>>
    %dma_wait3A_69 = arith.constant 0 : i32
    %dma_wait3A_70 = arith.constant 0 : i32
    %dma_wait3A_71 = arith.constant 0 : i32
    %dma_wait3A_72 = tpu.memref_slice %arg6[%dma_wait3A_57, %dma_wait3A_69, %dma_wait3A_70, %dma_wait3A_71] : memref<1x32x26x129xf32, #tpu.memory_space<vmem>> -> memref<1x32x26x129xf32, #tpu.memory_space<vmem>>
    %dma_wait3A_73 = tpu.memref_squeeze %dma_wait3A_72 : memref<1x32x26x129xf32, #tpu.memory_space<vmem>> -> memref<32x26x129xf32, #tpu.memory_space<vmem>>
    tpu.wait_dma2 semaphore(%arg8 : memref<!tpu.dma_semaphore, #tpu.memory_space<semaphore_mem>>) src(%dma_wait3A_73 : memref<32x26x129xf32, #tpu.memory_space<vmem>>) dst(%dma_wait3A_68 : memref<32x26x129xf32, #tpu.memory_space<hbm>>)
    %add3A_74 = arith.constant 32 : i32
    %add3A_75 = arith.addi %mul3A_2, %add3A_74 : i32
    %scan3A_76 = arith.constant 0 : i32
    %scan3A_77 = arith.constant 0 : i32
    %scan3A_78 = arith.constant 26 : i32
    %scan3A_79 = arith.addi %scan3A_77, %scan3A_78 : i32
    %scan3A_80 = arith.constant 1 : i32
    %scan3A_81 = scf.for %scan3A_293 = %scan3A_77 to %scan3A_79 step %scan3A_80 iter_args(%scan3A_294 = %scan3A_76) -> (i32)  : i32 {
      %dma_start3A_295 = arith.constant 0 : i32
      %dma_start3A_296 = arith.constant 0 : i32
      %dma_start3A_297 = arith.constant 0 : i32
      %dma_start3A_298 = tpu.memref_slice %arg6[%dma_start3A_295, %dma_start3A_296, %scan3A_293, %dma_start3A_297] : memref<1x32x26x129xf32, #tpu.memory_space<vmem>> -> memref<1x32x1x128xf32, #tpu.memory_space<vmem>>
      %dma_start3A_299 = tpu.memref_squeeze %dma_start3A_298 : memref<1x32x1x128xf32, #tpu.memory_space<vmem>> -> memref<32x128xf32, #tpu.memory_space<vmem>>
      %dma_start3A_300 = arith.constant 0 : i32
      %dma_start3A_301 = tpu.memref_slice %arg2[%scan3A_293, %add3A_75, %dma_start3A_300] : memref<26x4096x128xf32, #tpu.memory_space<hbm>> -> memref<1x32x128xf32, #tpu.memory_space<hbm>>
      %dma_start3A_302 = tpu.memref_squeeze %dma_start3A_301 : memref<1x32x128xf32, #tpu.memory_space<hbm>> -> memref<32x128xf32, #tpu.memory_space<hbm>>
      %dma_start3A_303 = arith.constant 0 : i32
      %dma_start3A_304 = arith.constant 0 : i32
      %dma_start3A_305 = tpu.memref_slice %arg6[%dma_start3A_295, %dma_start3A_303, %scan3A_293, %dma_start3A_304] : memref<1x32x26x129xf32, #tpu.memory_space<vmem>> -> memref<1x32x1x128xf32, #tpu.memory_space<vmem>>
      %dma_start3A_306 = tpu.memref_squeeze %dma_start3A_305 : memref<1x32x1x128xf32, #tpu.memory_space<vmem>> -> memref<32x128xf32, #tpu.memory_space<vmem>>
      %dma_start3A_307 = arith.constant 0 : i32
      %dma_start3A_308 = tpu.memref_slice %arg2[%scan3A_293, %add3A_75, %dma_start3A_307] : memref<26x4096x128xf32, #tpu.memory_space<hbm>> -> memref<1x32x128xf32, #tpu.memory_space<hbm>>
      %dma_start3A_309 = tpu.memref_squeeze %dma_start3A_308 : memref<1x32x128xf32, #tpu.memory_space<hbm>> -> memref<32x128xf32, #tpu.memory_space<hbm>>
      tpu.enqueue_dma source(%dma_start3A_309 : memref<32x128xf32, #tpu.memory_space<hbm>>) target(%dma_start3A_306 : memref<32x128xf32, #tpu.memory_space<vmem>>) target_semaphore(%arg7 : memref<!tpu.dma_semaphore, #tpu.memory_space<semaphore_mem>>)
      %scan3A_310 = arith.constant 0 : i32
      scf.yield %scan3A_310 : i32
    }
    %scan3A_82 = arith.constant 26 : i32
    %dma_wait3A_83 = arith.constant 0 : i32
    %dma_wait3A_84 = arith.constant 0 : i32
    %dma_wait3A_85 = arith.constant 0 : i32
    %dma_wait3A_86 = arith.constant 0 : i32
    %dma_wait3A_87 = tpu.memref_slice %arg6[%dma_wait3A_83, %dma_wait3A_84, %dma_wait3A_85, %dma_wait3A_86] : memref<1x32x26x129xf32, #tpu.memory_space<vmem>> -> memref<1x32x26x128xf32, #tpu.memory_space<vmem>>
    %dma_wait3A_88 = tpu.memref_squeeze %dma_wait3A_87 : memref<1x32x26x128xf32, #tpu.memory_space<vmem>> -> memref<32x26x128xf32, #tpu.memory_space<vmem>>
    %dma_wait3A_89 = arith.constant 0 : i32
    %dma_wait3A_90 = arith.constant 0 : i32
    %dma_wait3A_91 = arith.constant 0 : i32
    %dma_wait3A_92 = tpu.memref_slice %arg2[%dma_wait3A_89, %dma_wait3A_90, %dma_wait3A_91] : memref<26x4096x128xf32, #tpu.memory_space<hbm>> -> memref<32x26x128xf32, #tpu.memory_space<hbm>>
    %dma_wait3A_93 = arith.constant 0 : i32
    %dma_wait3A_94 = arith.constant 0 : i32
    %dma_wait3A_95 = arith.constant 0 : i32
    %dma_wait3A_96 = tpu.memref_slice %arg6[%dma_wait3A_83, %dma_wait3A_93, %dma_wait3A_94, %dma_wait3A_95] : memref<1x32x26x129xf32, #tpu.memory_space<vmem>> -> memref<1x32x26x128xf32, #tpu.memory_space<vmem>>
    %dma_wait3A_97 = tpu.memref_squeeze %dma_wait3A_96 : memref<1x32x26x128xf32, #tpu.memory_space<vmem>> -> memref<32x26x128xf32, #tpu.memory_space<vmem>>
    %dma_wait3A_98 = arith.constant 0 : i32
    %dma_wait3A_99 = arith.constant 0 : i32
    %dma_wait3A_100 = arith.constant 0 : i32
    %dma_wait3A_101 = tpu.memref_slice %arg2[%dma_wait3A_98, %dma_wait3A_99, %dma_wait3A_100] : memref<26x4096x128xf32, #tpu.memory_space<hbm>> -> memref<32x26x128xf32, #tpu.memory_space<hbm>>
    tpu.wait_dma2 semaphore(%arg7 : memref<!tpu.dma_semaphore, #tpu.memory_space<semaphore_mem>>) src(%dma_wait3A_101 : memref<32x26x128xf32, #tpu.memory_space<hbm>>) dst(%dma_wait3A_97 : memref<32x26x128xf32, #tpu.memory_space<vmem>>)
    %scan3A_102 = arith.constant 0 : i32
    %scan3A_103 = arith.constant 0 : i32
    %scan3A_104 = arith.constant 26 : i32
    %scan3A_105 = arith.addi %scan3A_103, %scan3A_104 : i32
    %scan3A_106 = arith.constant 1 : i32
    %scan3A_107 = scf.for %scan3A_293 = %scan3A_103 to %scan3A_105 step %scan3A_106 iter_args(%scan3A_294 = %scan3A_102) -> (i32)  : i32 {
      %get3A = arith.index_cast %scan3A_293 : i32 to index
      %get3A_295 = arith.constant 32 : index
      %get3A_296 = tpu.vector_load %arg5[%get3A, %get3A_295] {strides = array<i32>} : memref<26x128xi32, #tpu.memory_space<vmem>>, vector<16xi32>,
      %mul3A_297 = arith.constant 2 : i32
      %mul3A_298 = vector.broadcast %mul3A_297 : i32 to vector<16xi32>
      %mul3A_299 = arith.muli %mul3A_298, %get3A_296 : vector<16xi32>
      %sub3A = arith.constant 1 : i32
      %sub3A_300 = vector.broadcast %sub3A : i32 to vector<16xi32>
      %sub3A_301 = arith.subi %sub3A_300, %mul3A_299 : vector<16xi32>
      %convert_element_type3A = arith.sitofp %sub3A_301 : vector<16xi32> to vector<16xf32>
      %add3A_302 = arith.constant 0 : i32
      %add3A_303 = vector.broadcast %add3A_302 : i32 to vector<16xi32>
      %add3A_304 = arith.addi %iota3A, %add3A_303 : vector<16xi32>
      %broadcast_in_dim3A_305 = vector.broadcast %scan3A_293 : i32 to vector<16xi32>
      %scatter3A = arith.constant 0 : i32
      %scatter3A_306 = arith.constant 0 : i32
      %scatter3A_307 = arith.constant 0 : i32
      %scatter3A_308 = arith.constant 0 : i32
      %scatter3A_309 = tpu.memref_slice %arg6[%scatter3A, %scatter3A_306, %scatter3A_307, %scatter3A_308] : memref<1x32x26x129xf32, #tpu.memory_space<vmem>> -> memref<1x32x26x129xf32, #tpu.memory_space<vmem>>
      %scatter3A_310 = tpu.memref_squeeze %scatter3A_309 : memref<1x32x26x129xf32, #tpu.memory_space<vmem>> -> memref<32x26x129xf32, #tpu.memory_space<vmem>>
      tpu.vector_store_idx %scatter3A_310[%add3A_304, %broadcast_in_dim3A_305, %broadcast_in_dim3A_3], %convert_element_type3A : memref<32x26x129xf32, #tpu.memory_space<vmem>>[vector<16xi32>, vector<16xi32>, vector<16xi32>], vector<16xf32>,
      %get3A_311 = arith.index_cast %scan3A_293 : i32 to index
      %get3A_312 = arith.constant 48 : index
      %get3A_313 = tpu.vector_load %arg5[%get3A_311, %get3A_312] {strides = array<i32>} : memref<26x128xi32, #tpu.memory_space<vmem>>, vector<16xi32>,
      %mul3A_314 = arith.constant 2 : i32
      %mul3A_315 = vector.broadcast %mul3A_314 : i32 to vector<16xi32>
      %mul3A_316 = arith.muli %mul3A_315, %get3A_313 : vector<16xi32>
      %sub3A_317 = arith.constant 1 : i32
      %sub3A_318 = vector.broadcast %sub3A_317 : i32 to vector<16xi32>
      %sub3A_319 = arith.subi %sub3A_318, %mul3A_316 : vector<16xi32>
      %convert_element_type3A_320 = arith.sitofp %sub3A_319 : vector<16xi32> to vector<16xf32>
      %add3A_321 = arith.constant 16 : i32
      %add3A_322 = vector.broadcast %add3A_321 : i32 to vector<16xi32>
      %add3A_323 = arith.addi %iota3A, %add3A_322 : vector<16xi32>
      %broadcast_in_dim3A_324 = vector.broadcast %scan3A_293 : i32 to vector<16xi32>
      %scatter3A_325 = arith.constant 0 : i32
      %scatter3A_326 = arith.constant 0 : i32
      %scatter3A_327 = arith.constant 0 : i32
      %scatter3A_328 = arith.constant 0 : i32
      %scatter3A_329 = tpu.memref_slice %arg6[%scatter3A_325, %scatter3A_326, %scatter3A_327, %scatter3A_328] : memref<1x32x26x129xf32, #tpu.memory_space<vmem>> -> memref<1x32x26x129xf32, #tpu.memory_space<vmem>>
      %scatter3A_330 = tpu.memref_squeeze %scatter3A_329 : memref<1x32x26x129xf32, #tpu.memory_space<vmem>> -> memref<32x26x129xf32, #tpu.memory_space<vmem>>
      tpu.vector_store_idx %scatter3A_330[%add3A_323, %broadcast_in_dim3A_324, %broadcast_in_dim3A_3], %convert_element_type3A_320 : memref<32x26x129xf32, #tpu.memory_space<vmem>>[vector<16xi32>, vector<16xi32>, vector<16xi32>], vector<16xf32>,
      %scan3A_331 = arith.constant 0 : i32
      scf.yield %scan3A_331 : i32
    }
    %scan3A_108 = arith.constant 26 : i32
    %add3A_109 = arith.constant 32 : i32
    %add3A_110 = arith.addi %mul3A_2, %add3A_109 : i32
    %dma_start3A_111 = arith.constant 0 : i32
    %dma_start3A_112 = arith.constant 0 : i32
    %dma_start3A_113 = arith.constant 0 : i32
    %dma_start3A_114 = arith.constant 0 : i32
    %dma_start3A_115 = tpu.memref_slice %arg6[%dma_start3A_111, %dma_start3A_112, %dma_start3A_113, %dma_start3A_114] : memref<1x32x26x129xf32, #tpu.memory_space<vmem>> -> memref<1x32x26x129xf32, #tpu.memory_space<vmem>>
    %dma_start3A_116 = tpu.memref_squeeze %dma_start3A_115 : memref<1x32x26x129xf32, #tpu.memory_space<vmem>> -> memref<32x26x129xf32, #tpu.memory_space<vmem>>
    %dma_start3A_117 = arith.constant 0 : i32
    %dma_start3A_118 = arith.constant 0 : i32
    %dma_start3A_119 = tpu.memref_slice %arg4[%add3A_110, %dma_start3A_117, %dma_start3A_118] : memref<4096x26x129xf32, #tpu.memory_space<hbm>> -> memref<32x26x129xf32, #tpu.memory_space<hbm>>
    %dma_start3A_120 = arith.constant 0 : i32
    %dma_start3A_121 = arith.constant 0 : i32
    %dma_start3A_122 = tpu.memref_slice %arg4[%add3A_110, %dma_start3A_120, %dma_start3A_121] : memref<4096x26x129xf32, #tpu.memory_space<hbm>> -> memref<32x26x129xf32, #tpu.memory_space<hbm>>
    %dma_start3A_123 = arith.constant 0 : i32
    %dma_start3A_124 = arith.constant 0 : i32
    %dma_start3A_125 = arith.constant 0 : i32
    %dma_start3A_126 = tpu.memref_slice %arg6[%dma_start3A_111, %dma_start3A_123, %dma_start3A_124, %dma_start3A_125] : memref<1x32x26x129xf32, #tpu.memory_space<vmem>> -> memref<1x32x26x129xf32, #tpu.memory_space<vmem>>
    %dma_start3A_127 = tpu.memref_squeeze %dma_start3A_126 : memref<1x32x26x129xf32, #tpu.memory_space<vmem>> -> memref<32x26x129xf32, #tpu.memory_space<vmem>>
    tpu.enqueue_dma source(%dma_start3A_127 : memref<32x26x129xf32, #tpu.memory_space<vmem>>) target(%dma_start3A_122 : memref<32x26x129xf32, #tpu.memory_space<hbm>>) target_semaphore(%arg8 : memref<!tpu.dma_semaphore, #tpu.memory_space<semaphore_mem>>)
    %add3A_128 = arith.constant 32 : i32
    %add3A_129 = arith.addi %mul3A_2, %add3A_128 : i32
    %dma_wait3A_130 = arith.constant 0 : i32
    %dma_wait3A_131 = arith.constant 0 : i32
    %dma_wait3A_132 = arith.constant 0 : i32
    %dma_wait3A_133 = arith.constant 0 : i32
    %dma_wait3A_134 = tpu.memref_slice %arg6[%dma_wait3A_130, %dma_wait3A_131, %dma_wait3A_132, %dma_wait3A_133] : memref<1x32x26x129xf32, #tpu.memory_space<vmem>> -> memref<1x32x26x129xf32, #tpu.memory_space<vmem>>
    %dma_wait3A_135 = tpu.memref_squeeze %dma_wait3A_134 : memref<1x32x26x129xf32, #tpu.memory_space<vmem>> -> memref<32x26x129xf32, #tpu.memory_space<vmem>>
    %dma_wait3A_136 = arith.constant 0 : i32
    %dma_wait3A_137 = arith.constant 0 : i32
    %dma_wait3A_138 = tpu.memref_slice %arg4[%add3A_129, %dma_wait3A_136, %dma_wait3A_137] : memref<4096x26x129xf32, #tpu.memory_space<hbm>> -> memref<32x26x129xf32, #tpu.memory_space<hbm>>
    %dma_wait3A_139 = arith.constant 0 : i32
    %dma_wait3A_140 = arith.constant 0 : i32
    %dma_wait3A_141 = tpu.memref_slice %arg4[%add3A_129, %dma_wait3A_139, %dma_wait3A_140] : memref<4096x26x129xf32, #tpu.memory_space<hbm>> -> memref<32x26x129xf32, #tpu.memory_space<hbm>>
    %dma_wait3A_142 = arith.constant 0 : i32
    %dma_wait3A_143 = arith.constant 0 : i32
    %dma_wait3A_144 = arith.constant 0 : i32
    %dma_wait3A_145 = tpu.memref_slice %arg6[%dma_wait3A_130, %dma_wait3A_142, %dma_wait3A_143, %dma_wait3A_144] : memref<1x32x26x129xf32, #tpu.memory_space<vmem>> -> memref<1x32x26x129xf32, #tpu.memory_space<vmem>>
    %dma_wait3A_146 = tpu.memref_squeeze %dma_wait3A_145 : memref<1x32x26x129xf32, #tpu.memory_space<vmem>> -> memref<32x26x129xf32, #tpu.memory_space<vmem>>
    tpu.wait_dma2 semaphore(%arg8 : memref<!tpu.dma_semaphore, #tpu.memory_space<semaphore_mem>>) src(%dma_wait3A_146 : memref<32x26x129xf32, #tpu.memory_space<vmem>>) dst(%dma_wait3A_141 : memref<32x26x129xf32, #tpu.memory_space<hbm>>)
    %add3A_147 = arith.constant 64 : i32
    %add3A_148 = arith.addi %mul3A_2, %add3A_147 : i32
    %scan3A_149 = arith.constant 0 : i32
    %scan3A_150 = arith.constant 0 : i32
    %scan3A_151 = arith.constant 26 : i32
    %scan3A_152 = arith.addi %scan3A_150, %scan3A_151 : i32
    %scan3A_153 = arith.constant 1 : i32
    %scan3A_154 = scf.for %scan3A_293 = %scan3A_150 to %scan3A_152 step %scan3A_153 iter_args(%scan3A_294 = %scan3A_149) -> (i32)  : i32 {
      %dma_start3A_295 = arith.constant 0 : i32
      %dma_start3A_296 = arith.constant 0 : i32
      %dma_start3A_297 = arith.constant 0 : i32
      %dma_start3A_298 = tpu.memref_slice %arg6[%dma_start3A_295, %dma_start3A_296, %scan3A_293, %dma_start3A_297] : memref<1x32x26x129xf32, #tpu.memory_space<vmem>> -> memref<1x32x1x128xf32, #tpu.memory_space<vmem>>
      %dma_start3A_299 = tpu.memref_squeeze %dma_start3A_298 : memref<1x32x1x128xf32, #tpu.memory_space<vmem>> -> memref<32x128xf32, #tpu.memory_space<vmem>>
      %dma_start3A_300 = arith.constant 0 : i32
      %dma_start3A_301 = tpu.memref_slice %arg2[%scan3A_293, %add3A_148, %dma_start3A_300] : memref<26x4096x128xf32, #tpu.memory_space<hbm>> -> memref<1x32x128xf32, #tpu.memory_space<hbm>>
      %dma_start3A_302 = tpu.memref_squeeze %dma_start3A_301 : memref<1x32x128xf32, #tpu.memory_space<hbm>> -> memref<32x128xf32, #tpu.memory_space<hbm>>
      %dma_start3A_303 = arith.constant 0 : i32
      %dma_start3A_304 = arith.constant 0 : i32
      %dma_start3A_305 = tpu.memref_slice %arg6[%dma_start3A_295, %dma_start3A_303, %scan3A_293, %dma_start3A_304] : memref<1x32x26x129xf32, #tpu.memory_space<vmem>> -> memref<1x32x1x128xf32, #tpu.memory_space<vmem>>
      %dma_start3A_306 = tpu.memref_squeeze %dma_start3A_305 : memref<1x32x1x128xf32, #tpu.memory_space<vmem>> -> memref<32x128xf32, #tpu.memory_space<vmem>>
      %dma_start3A_307 = arith.constant 0 : i32
      %dma_start3A_308 = tpu.memref_slice %arg2[%scan3A_293, %add3A_148, %dma_start3A_307] : memref<26x4096x128xf32, #tpu.memory_space<hbm>> -> memref<1x32x128xf32, #tpu.memory_space<hbm>>
      %dma_start3A_309 = tpu.memref_squeeze %dma_start3A_308 : memref<1x32x128xf32, #tpu.memory_space<hbm>> -> memref<32x128xf32, #tpu.memory_space<hbm>>
      tpu.enqueue_dma source(%dma_start3A_309 : memref<32x128xf32, #tpu.memory_space<hbm>>) target(%dma_start3A_306 : memref<32x128xf32, #tpu.memory_space<vmem>>) target_semaphore(%arg7 : memref<!tpu.dma_semaphore, #tpu.memory_space<semaphore_mem>>)
      %scan3A_310 = arith.constant 0 : i32
      scf.yield %scan3A_310 : i32
    }
    %scan3A_155 = arith.constant 26 : i32
    %dma_wait3A_156 = arith.constant 0 : i32
    %dma_wait3A_157 = arith.constant 0 : i32
    %dma_wait3A_158 = arith.constant 0 : i32
    %dma_wait3A_159 = arith.constant 0 : i32
    %dma_wait3A_160 = tpu.memref_slice %arg6[%dma_wait3A_156, %dma_wait3A_157, %dma_wait3A_158, %dma_wait3A_159] : memref<1x32x26x129xf32, #tpu.memory_space<vmem>> -> memref<1x32x26x128xf32, #tpu.memory_space<vmem>>
    %dma_wait3A_161 = tpu.memref_squeeze %dma_wait3A_160 : memref<1x32x26x128xf32, #tpu.memory_space<vmem>> -> memref<32x26x128xf32, #tpu.memory_space<vmem>>
    %dma_wait3A_162 = arith.constant 0 : i32
    %dma_wait3A_163 = arith.constant 0 : i32
    %dma_wait3A_164 = arith.constant 0 : i32
    %dma_wait3A_165 = tpu.memref_slice %arg2[%dma_wait3A_162, %dma_wait3A_163, %dma_wait3A_164] : memref<26x4096x128xf32, #tpu.memory_space<hbm>> -> memref<32x26x128xf32, #tpu.memory_space<hbm>>
    %dma_wait3A_166 = arith.constant 0 : i32
    %dma_wait3A_167 = arith.constant 0 : i32
    %dma_wait3A_168 = arith.constant 0 : i32
    %dma_wait3A_169 = tpu.memref_slice %arg6[%dma_wait3A_156, %dma_wait3A_166, %dma_wait3A_167, %dma_wait3A_168] : memref<1x32x26x129xf32, #tpu.memory_space<vmem>> -> memref<1x32x26x128xf32, #tpu.memory_space<vmem>>
    %dma_wait3A_170 = tpu.memref_squeeze %dma_wait3A_169 : memref<1x32x26x128xf32, #tpu.memory_space<vmem>> -> memref<32x26x128xf32, #tpu.memory_space<vmem>>
    %dma_wait3A_171 = arith.constant 0 : i32
    %dma_wait3A_172 = arith.constant 0 : i32
    %dma_wait3A_173 = arith.constant 0 : i32
    %dma_wait3A_174 = tpu.memref_slice %arg2[%dma_wait3A_171, %dma_wait3A_172, %dma_wait3A_173] : memref<26x4096x128xf32, #tpu.memory_space<hbm>> -> memref<32x26x128xf32, #tpu.memory_space<hbm>>
    tpu.wait_dma2 semaphore(%arg7 : memref<!tpu.dma_semaphore, #tpu.memory_space<semaphore_mem>>) src(%dma_wait3A_174 : memref<32x26x128xf32, #tpu.memory_space<hbm>>) dst(%dma_wait3A_170 : memref<32x26x128xf32, #tpu.memory_space<vmem>>)
    %scan3A_175 = arith.constant 0 : i32
    %scan3A_176 = arith.constant 0 : i32
    %scan3A_177 = arith.constant 26 : i32
    %scan3A_178 = arith.addi %scan3A_176, %scan3A_177 : i32
    %scan3A_179 = arith.constant 1 : i32
    %scan3A_180 = scf.for %scan3A_293 = %scan3A_176 to %scan3A_178 step %scan3A_179 iter_args(%scan3A_294 = %scan3A_175) -> (i32)  : i32 {
      %get3A = arith.index_cast %scan3A_293 : i32 to index
      %get3A_295 = arith.constant 64 : index
      %get3A_296 = tpu.vector_load %arg5[%get3A, %get3A_295] {strides = array<i32>} : memref<26x128xi32, #tpu.memory_space<vmem>>, vector<16xi32>,
      %mul3A_297 = arith.constant 2 : i32
      %mul3A_298 = vector.broadcast %mul3A_297 : i32 to vector<16xi32>
      %mul3A_299 = arith.muli %mul3A_298, %get3A_296 : vector<16xi32>
      %sub3A = arith.constant 1 : i32
      %sub3A_300 = vector.broadcast %sub3A : i32 to vector<16xi32>
      %sub3A_301 = arith.subi %sub3A_300, %mul3A_299 : vector<16xi32>
      %convert_element_type3A = arith.sitofp %sub3A_301 : vector<16xi32> to vector<16xf32>
      %add3A_302 = arith.constant 0 : i32
      %add3A_303 = vector.broadcast %add3A_302 : i32 to vector<16xi32>
      %add3A_304 = arith.addi %iota3A, %add3A_303 : vector<16xi32>
      %broadcast_in_dim3A_305 = vector.broadcast %scan3A_293 : i32 to vector<16xi32>
      %scatter3A = arith.constant 0 : i32
      %scatter3A_306 = arith.constant 0 : i32
      %scatter3A_307 = arith.constant 0 : i32
      %scatter3A_308 = arith.constant 0 : i32
      %scatter3A_309 = tpu.memref_slice %arg6[%scatter3A, %scatter3A_306, %scatter3A_307, %scatter3A_308] : memref<1x32x26x129xf32, #tpu.memory_space<vmem>> -> memref<1x32x26x129xf32, #tpu.memory_space<vmem>>
      %scatter3A_310 = tpu.memref_squeeze %scatter3A_309 : memref<1x32x26x129xf32, #tpu.memory_space<vmem>> -> memref<32x26x129xf32, #tpu.memory_space<vmem>>
      tpu.vector_store_idx %scatter3A_310[%add3A_304, %broadcast_in_dim3A_305, %broadcast_in_dim3A_3], %convert_element_type3A : memref<32x26x129xf32, #tpu.memory_space<vmem>>[vector<16xi32>, vector<16xi32>, vector<16xi32>], vector<16xf32>,
      %get3A_311 = arith.index_cast %scan3A_293 : i32 to index
      %get3A_312 = arith.constant 80 : index
      %get3A_313 = tpu.vector_load %arg5[%get3A_311, %get3A_312] {strides = array<i32>} : memref<26x128xi32, #tpu.memory_space<vmem>>, vector<16xi32>,
      %mul3A_314 = arith.constant 2 : i32
      %mul3A_315 = vector.broadcast %mul3A_314 : i32 to vector<16xi32>
      %mul3A_316 = arith.muli %mul3A_315, %get3A_313 : vector<16xi32>
      %sub3A_317 = arith.constant 1 : i32
      %sub3A_318 = vector.broadcast %sub3A_317 : i32 to vector<16xi32>
      %sub3A_319 = arith.subi %sub3A_318, %mul3A_316 : vector<16xi32>
      %convert_element_type3A_320 = arith.sitofp %sub3A_319 : vector<16xi32> to vector<16xf32>
      %add3A_321 = arith.constant 16 : i32
      %add3A_322 = vector.broadcast %add3A_321 : i32 to vector<16xi32>
      %add3A_323 = arith.addi %iota3A, %add3A_322 : vector<16xi32>
      %broadcast_in_dim3A_324 = vector.broadcast %scan3A_293 : i32 to vector<16xi32>
      %scatter3A_325 = arith.constant 0 : i32
      %scatter3A_326 = arith.constant 0 : i32
      %scatter3A_327 = arith.constant 0 : i32
      %scatter3A_328 = arith.constant 0 : i32
      %scatter3A_329 = tpu.memref_slice %arg6[%scatter3A_325, %scatter3A_326, %scatter3A_327, %scatter3A_328] : memref<1x32x26x129xf32, #tpu.memory_space<vmem>> -> memref<1x32x26x129xf32, #tpu.memory_space<vmem>>
      %scatter3A_330 = tpu.memref_squeeze %scatter3A_329 : memref<1x32x26x129xf32, #tpu.memory_space<vmem>> -> memref<32x26x129xf32, #tpu.memory_space<vmem>>
      tpu.vector_store_idx %scatter3A_330[%add3A_323, %broadcast_in_dim3A_324, %broadcast_in_dim3A_3], %convert_element_type3A_320 : memref<32x26x129xf32, #tpu.memory_space<vmem>>[vector<16xi32>, vector<16xi32>, vector<16xi32>], vector<16xf32>,
      %scan3A_331 = arith.constant 0 : i32
      scf.yield %scan3A_331 : i32
    }
    %scan3A_181 = arith.constant 26 : i32
    %add3A_182 = arith.constant 64 : i32
    %add3A_183 = arith.addi %mul3A_2, %add3A_182 : i32
    %dma_start3A_184 = arith.constant 0 : i32
    %dma_start3A_185 = arith.constant 0 : i32
    %dma_start3A_186 = arith.constant 0 : i32
    %dma_start3A_187 = arith.constant 0 : i32
    %dma_start3A_188 = tpu.memref_slice %arg6[%dma_start3A_184, %dma_start3A_185, %dma_start3A_186, %dma_start3A_187] : memref<1x32x26x129xf32, #tpu.memory_space<vmem>> -> memref<1x32x26x129xf32, #tpu.memory_space<vmem>>
    %dma_start3A_189 = tpu.memref_squeeze %dma_start3A_188 : memref<1x32x26x129xf32, #tpu.memory_space<vmem>> -> memref<32x26x129xf32, #tpu.memory_space<vmem>>
    %dma_start3A_190 = arith.constant 0 : i32
    %dma_start3A_191 = arith.constant 0 : i32
    %dma_start3A_192 = tpu.memref_slice %arg4[%add3A_183, %dma_start3A_190, %dma_start3A_191] : memref<4096x26x129xf32, #tpu.memory_space<hbm>> -> memref<32x26x129xf32, #tpu.memory_space<hbm>>
    %dma_start3A_193 = arith.constant 0 : i32
    %dma_start3A_194 = arith.constant 0 : i32
    %dma_start3A_195 = tpu.memref_slice %arg4[%add3A_183, %dma_start3A_193, %dma_start3A_194] : memref<4096x26x129xf32, #tpu.memory_space<hbm>> -> memref<32x26x129xf32, #tpu.memory_space<hbm>>
    %dma_start3A_196 = arith.constant 0 : i32
    %dma_start3A_197 = arith.constant 0 : i32
    %dma_start3A_198 = arith.constant 0 : i32
    %dma_start3A_199 = tpu.memref_slice %arg6[%dma_start3A_184, %dma_start3A_196, %dma_start3A_197, %dma_start3A_198] : memref<1x32x26x129xf32, #tpu.memory_space<vmem>> -> memref<1x32x26x129xf32, #tpu.memory_space<vmem>>
    %dma_start3A_200 = tpu.memref_squeeze %dma_start3A_199 : memref<1x32x26x129xf32, #tpu.memory_space<vmem>> -> memref<32x26x129xf32, #tpu.memory_space<vmem>>
    tpu.enqueue_dma source(%dma_start3A_200 : memref<32x26x129xf32, #tpu.memory_space<vmem>>) target(%dma_start3A_195 : memref<32x26x129xf32, #tpu.memory_space<hbm>>) target_semaphore(%arg8 : memref<!tpu.dma_semaphore, #tpu.memory_space<semaphore_mem>>)
    %add3A_201 = arith.constant 64 : i32
    %add3A_202 = arith.addi %mul3A_2, %add3A_201 : i32
    %dma_wait3A_203 = arith.constant 0 : i32
    %dma_wait3A_204 = arith.constant 0 : i32
    %dma_wait3A_205 = arith.constant 0 : i32
    %dma_wait3A_206 = arith.constant 0 : i32
    %dma_wait3A_207 = tpu.memref_slice %arg6[%dma_wait3A_203, %dma_wait3A_204, %dma_wait3A_205, %dma_wait3A_206] : memref<1x32x26x129xf32, #tpu.memory_space<vmem>> -> memref<1x32x26x129xf32, #tpu.memory_space<vmem>>
    %dma_wait3A_208 = tpu.memref_squeeze %dma_wait3A_207 : memref<1x32x26x129xf32, #tpu.memory_space<vmem>> -> memref<32x26x129xf32, #tpu.memory_space<vmem>>
    %dma_wait3A_209 = arith.constant 0 : i32
    %dma_wait3A_210 = arith.constant 0 : i32
    %dma_wait3A_211 = tpu.memref_slice %arg4[%add3A_202, %dma_wait3A_209, %dma_wait3A_210] : memref<4096x26x129xf32, #tpu.memory_space<hbm>> -> memref<32x26x129xf32, #tpu.memory_space<hbm>>
    %dma_wait3A_212 = arith.constant 0 : i32
    %dma_wait3A_213 = arith.constant 0 : i32
    %dma_wait3A_214 = tpu.memref_slice %arg4[%add3A_202, %dma_wait3A_212, %dma_wait3A_213] : memref<4096x26x129xf32, #tpu.memory_space<hbm>> -> memref<32x26x129xf32, #tpu.memory_space<hbm>>
    %dma_wait3A_215 = arith.constant 0 : i32
    %dma_wait3A_216 = arith.constant 0 : i32
    %dma_wait3A_217 = arith.constant 0 : i32
    %dma_wait3A_218 = tpu.memref_slice %arg6[%dma_wait3A_203, %dma_wait3A_215, %dma_wait3A_216, %dma_wait3A_217] : memref<1x32x26x129xf32, #tpu.memory_space<vmem>> -> memref<1x32x26x129xf32, #tpu.memory_space<vmem>>
    %dma_wait3A_219 = tpu.memref_squeeze %dma_wait3A_218 : memref<1x32x26x129xf32, #tpu.memory_space<vmem>> -> memref<32x26x129xf32, #tpu.memory_space<vmem>>
    tpu.wait_dma2 semaphore(%arg8 : memref<!tpu.dma_semaphore, #tpu.memory_space<semaphore_mem>>) src(%dma_wait3A_219 : memref<32x26x129xf32, #tpu.memory_space<vmem>>) dst(%dma_wait3A_214 : memref<32x26x129xf32, #tpu.memory_space<hbm>>)
    %add3A_220 = arith.constant 96 : i32
    %add3A_221 = arith.addi %mul3A_2, %add3A_220 : i32
    %scan3A_222 = arith.constant 0 : i32
    %scan3A_223 = arith.constant 0 : i32
    %scan3A_224 = arith.constant 26 : i32
    %scan3A_225 = arith.addi %scan3A_223, %scan3A_224 : i32
    %scan3A_226 = arith.constant 1 : i32
    %scan3A_227 = scf.for %scan3A_293 = %scan3A_223 to %scan3A_225 step %scan3A_226 iter_args(%scan3A_294 = %scan3A_222) -> (i32)  : i32 {
      %dma_start3A_295 = arith.constant 0 : i32
      %dma_start3A_296 = arith.constant 0 : i32
      %dma_start3A_297 = arith.constant 0 : i32
      %dma_start3A_298 = tpu.memref_slice %arg6[%dma_start3A_295, %dma_start3A_296, %scan3A_293, %dma_start3A_297] : memref<1x32x26x129xf32, #tpu.memory_space<vmem>> -> memref<1x32x1x128xf32, #tpu.memory_space<vmem>>
      %dma_start3A_299 = tpu.memref_squeeze %dma_start3A_298 : memref<1x32x1x128xf32, #tpu.memory_space<vmem>> -> memref<32x128xf32, #tpu.memory_space<vmem>>
      %dma_start3A_300 = arith.constant 0 : i32
      %dma_start3A_301 = tpu.memref_slice %arg2[%scan3A_293, %add3A_221, %dma_start3A_300] : memref<26x4096x128xf32, #tpu.memory_space<hbm>> -> memref<1x32x128xf32, #tpu.memory_space<hbm>>
      %dma_start3A_302 = tpu.memref_squeeze %dma_start3A_301 : memref<1x32x128xf32, #tpu.memory_space<hbm>> -> memref<32x128xf32, #tpu.memory_space<hbm>>
      %dma_start3A_303 = arith.constant 0 : i32
      %dma_start3A_304 = arith.constant 0 : i32
      %dma_start3A_305 = tpu.memref_slice %arg6[%dma_start3A_295, %dma_start3A_303, %scan3A_293, %dma_start3A_304] : memref<1x32x26x129xf32, #tpu.memory_space<vmem>> -> memref<1x32x1x128xf32, #tpu.memory_space<vmem>>
      %dma_start3A_306 = tpu.memref_squeeze %dma_start3A_305 : memref<1x32x1x128xf32, #tpu.memory_space<vmem>> -> memref<32x128xf32, #tpu.memory_space<vmem>>
      %dma_start3A_307 = arith.constant 0 : i32
      %dma_start3A_308 = tpu.memref_slice %arg2[%scan3A_293, %add3A_221, %dma_start3A_307] : memref<26x4096x128xf32, #tpu.memory_space<hbm>> -> memref<1x32x128xf32, #tpu.memory_space<hbm>>
      %dma_start3A_309 = tpu.memref_squeeze %dma_start3A_308 : memref<1x32x128xf32, #tpu.memory_space<hbm>> -> memref<32x128xf32, #tpu.memory_space<hbm>>
      tpu.enqueue_dma source(%dma_start3A_309 : memref<32x128xf32, #tpu.memory_space<hbm>>) target(%dma_start3A_306 : memref<32x128xf32, #tpu.memory_space<vmem>>) target_semaphore(%arg7 : memref<!tpu.dma_semaphore, #tpu.memory_space<semaphore_mem>>)
      %scan3A_310 = arith.constant 0 : i32
      scf.yield %scan3A_310 : i32
    }
    %scan3A_228 = arith.constant 26 : i32
    %dma_wait3A_229 = arith.constant 0 : i32
    %dma_wait3A_230 = arith.constant 0 : i32
    %dma_wait3A_231 = arith.constant 0 : i32
    %dma_wait3A_232 = arith.constant 0 : i32
    %dma_wait3A_233 = tpu.memref_slice %arg6[%dma_wait3A_229, %dma_wait3A_230, %dma_wait3A_231, %dma_wait3A_232] : memref<1x32x26x129xf32, #tpu.memory_space<vmem>> -> memref<1x32x26x128xf32, #tpu.memory_space<vmem>>
    %dma_wait3A_234 = tpu.memref_squeeze %dma_wait3A_233 : memref<1x32x26x128xf32, #tpu.memory_space<vmem>> -> memref<32x26x128xf32, #tpu.memory_space<vmem>>
    %dma_wait3A_235 = arith.constant 0 : i32
    %dma_wait3A_236 = arith.constant 0 : i32
    %dma_wait3A_237 = arith.constant 0 : i32
    %dma_wait3A_238 = tpu.memref_slice %arg2[%dma_wait3A_235, %dma_wait3A_236, %dma_wait3A_237] : memref<26x4096x128xf32, #tpu.memory_space<hbm>> -> memref<32x26x128xf32, #tpu.memory_space<hbm>>
    %dma_wait3A_239 = arith.constant 0 : i32
    %dma_wait3A_240 = arith.constant 0 : i32
    %dma_wait3A_241 = arith.constant 0 : i32
    %dma_wait3A_242 = tpu.memref_slice %arg6[%dma_wait3A_229, %dma_wait3A_239, %dma_wait3A_240, %dma_wait3A_241] : memref<1x32x26x129xf32, #tpu.memory_space<vmem>> -> memref<1x32x26x128xf32, #tpu.memory_space<vmem>>
    %dma_wait3A_243 = tpu.memref_squeeze %dma_wait3A_242 : memref<1x32x26x128xf32, #tpu.memory_space<vmem>> -> memref<32x26x128xf32, #tpu.memory_space<vmem>>
    %dma_wait3A_244 = arith.constant 0 : i32
    %dma_wait3A_245 = arith.constant 0 : i32
    %dma_wait3A_246 = arith.constant 0 : i32
    %dma_wait3A_247 = tpu.memref_slice %arg2[%dma_wait3A_244, %dma_wait3A_245, %dma_wait3A_246] : memref<26x4096x128xf32, #tpu.memory_space<hbm>> -> memref<32x26x128xf32, #tpu.memory_space<hbm>>
    tpu.wait_dma2 semaphore(%arg7 : memref<!tpu.dma_semaphore, #tpu.memory_space<semaphore_mem>>) src(%dma_wait3A_247 : memref<32x26x128xf32, #tpu.memory_space<hbm>>) dst(%dma_wait3A_243 : memref<32x26x128xf32, #tpu.memory_space<vmem>>)
    %scan3A_248 = arith.constant 0 : i32
    %scan3A_249 = arith.constant 0 : i32
    %scan3A_250 = arith.constant 26 : i32
    %scan3A_251 = arith.addi %scan3A_249, %scan3A_250 : i32
    %scan3A_252 = arith.constant 1 : i32
    %scan3A_253 = scf.for %scan3A_293 = %scan3A_249 to %scan3A_251 step %scan3A_252 iter_args(%scan3A_294 = %scan3A_248) -> (i32)  : i32 {
      %get3A = arith.index_cast %scan3A_293 : i32 to index
      %get3A_295 = arith.constant 96 : index
      %get3A_296 = tpu.vector_load %arg5[%get3A, %get3A_295] {strides = array<i32>} : memref<26x128xi32, #tpu.memory_space<vmem>>, vector<16xi32>,
      %mul3A_297 = arith.constant 2 : i32
      %mul3A_298 = vector.broadcast %mul3A_297 : i32 to vector<16xi32>
      %mul3A_299 = arith.muli %mul3A_298, %get3A_296 : vector<16xi32>
      %sub3A = arith.constant 1 : i32
      %sub3A_300 = vector.broadcast %sub3A : i32 to vector<16xi32>
      %sub3A_301 = arith.subi %sub3A_300, %mul3A_299 : vector<16xi32>
      %convert_element_type3A = arith.sitofp %sub3A_301 : vector<16xi32> to vector<16xf32>
      %add3A_302 = arith.constant 0 : i32
      %add3A_303 = vector.broadcast %add3A_302 : i32 to vector<16xi32>
      %add3A_304 = arith.addi %iota3A, %add3A_303 : vector<16xi32>
      %broadcast_in_dim3A_305 = vector.broadcast %scan3A_293 : i32 to vector<16xi32>
      %scatter3A = arith.constant 0 : i32
      %scatter3A_306 = arith.constant 0 : i32
      %scatter3A_307 = arith.constant 0 : i32
      %scatter3A_308 = arith.constant 0 : i32
      %scatter3A_309 = tpu.memref_slice %arg6[%scatter3A, %scatter3A_306, %scatter3A_307, %scatter3A_308] : memref<1x32x26x129xf32, #tpu.memory_space<vmem>> -> memref<1x32x26x129xf32, #tpu.memory_space<vmem>>
      %scatter3A_310 = tpu.memref_squeeze %scatter3A_309 : memref<1x32x26x129xf32, #tpu.memory_space<vmem>> -> memref<32x26x129xf32, #tpu.memory_space<vmem>>
      tpu.vector_store_idx %scatter3A_310[%add3A_304, %broadcast_in_dim3A_305, %broadcast_in_dim3A_3], %convert_element_type3A : memref<32x26x129xf32, #tpu.memory_space<vmem>>[vector<16xi32>, vector<16xi32>, vector<16xi32>], vector<16xf32>,
      %get3A_311 = arith.index_cast %scan3A_293 : i32 to index
      %get3A_312 = arith.constant 112 : index
      %get3A_313 = tpu.vector_load %arg5[%get3A_311, %get3A_312] {strides = array<i32>} : memref<26x128xi32, #tpu.memory_space<vmem>>, vector<16xi32>,
      %mul3A_314 = arith.constant 2 : i32
      %mul3A_315 = vector.broadcast %mul3A_314 : i32 to vector<16xi32>
      %mul3A_316 = arith.muli %mul3A_315, %get3A_313 : vector<16xi32>
      %sub3A_317 = arith.constant 1 : i32
      %sub3A_318 = vector.broadcast %sub3A_317 : i32 to vector<16xi32>
      %sub3A_319 = arith.subi %sub3A_318, %mul3A_316 : vector<16xi32>
      %convert_element_type3A_320 = arith.sitofp %sub3A_319 : vector<16xi32> to vector<16xf32>
      %add3A_321 = arith.constant 16 : i32
      %add3A_322 = vector.broadcast %add3A_321 : i32 to vector<16xi32>
      %add3A_323 = arith.addi %iota3A, %add3A_322 : vector<16xi32>
      %broadcast_in_dim3A_324 = vector.broadcast %scan3A_293 : i32 to vector<16xi32>
      %scatter3A_325 = arith.constant 0 : i32
      %scatter3A_326 = arith.constant 0 : i32
      %scatter3A_327 = arith.constant 0 : i32
      %scatter3A_328 = arith.constant 0 : i32
      %scatter3A_329 = tpu.memref_slice %arg6[%scatter3A_325, %scatter3A_326, %scatter3A_327, %scatter3A_328] : memref<1x32x26x129xf32, #tpu.memory_space<vmem>> -> memref<1x32x26x129xf32, #tpu.memory_space<vmem>>
      %scatter3A_330 = tpu.memref_squeeze %scatter3A_329 : memref<1x32x26x129xf32, #tpu.memory_space<vmem>> -> memref<32x26x129xf32, #tpu.memory_space<vmem>>
      tpu.vector_store_idx %scatter3A_330[%add3A_323, %broadcast_in_dim3A_324, %broadcast_in_dim3A_3], %convert_element_type3A_320 : memref<32x26x129xf32, #tpu.memory_space<vmem>>[vector<16xi32>, vector<16xi32>, vector<16xi32>], vector<16xf32>,
      %scan3A_331 = arith.constant 0 : i32
      scf.yield %scan3A_331 : i32
    }
    %scan3A_254 = arith.constant 26 : i32
    %add3A_255 = arith.constant 96 : i32
    %add3A_256 = arith.addi %mul3A_2, %add3A_255 : i32
    %dma_start3A_257 = arith.constant 0 : i32
    %dma_start3A_258 = arith.constant 0 : i32
    %dma_start3A_259 = arith.constant 0 : i32
    %dma_start3A_260 = arith.constant 0 : i32
    %dma_start3A_261 = tpu.memref_slice %arg6[%dma_start3A_257, %dma_start3A_258, %dma_start3A_259, %dma_start3A_260] : memref<1x32x26x129xf32, #tpu.memory_space<vmem>> -> memref<1x32x26x129xf32, #tpu.memory_space<vmem>>
    %dma_start3A_262 = tpu.memref_squeeze %dma_start3A_261 : memref<1x32x26x129xf32, #tpu.memory_space<vmem>> -> memref<32x26x129xf32, #tpu.memory_space<vmem>>
    %dma_start3A_263 = arith.constant 0 : i32
    %dma_start3A_264 = arith.constant 0 : i32
    %dma_start3A_265 = tpu.memref_slice %arg4[%add3A_256, %dma_start3A_263, %dma_start3A_264] : memref<4096x26x129xf32, #tpu.memory_space<hbm>> -> memref<32x26x129xf32, #tpu.memory_space<hbm>>
    %dma_start3A_266 = arith.constant 0 : i32
    %dma_start3A_267 = arith.constant 0 : i32
    %dma_start3A_268 = tpu.memref_slice %arg4[%add3A_256, %dma_start3A_266, %dma_start3A_267] : memref<4096x26x129xf32, #tpu.memory_space<hbm>> -> memref<32x26x129xf32, #tpu.memory_space<hbm>>
    %dma_start3A_269 = arith.constant 0 : i32
    %dma_start3A_270 = arith.constant 0 : i32
    %dma_start3A_271 = arith.constant 0 : i32
    %dma_start3A_272 = tpu.memref_slice %arg6[%dma_start3A_257, %dma_start3A_269, %dma_start3A_270, %dma_start3A_271] : memref<1x32x26x129xf32, #tpu.memory_space<vmem>> -> memref<1x32x26x129xf32, #tpu.memory_space<vmem>>
    %dma_start3A_273 = tpu.memref_squeeze %dma_start3A_272 : memref<1x32x26x129xf32, #tpu.memory_space<vmem>> -> memref<32x26x129xf32, #tpu.memory_space<vmem>>
    tpu.enqueue_dma source(%dma_start3A_273 : memref<32x26x129xf32, #tpu.memory_space<vmem>>) target(%dma_start3A_268 : memref<32x26x129xf32, #tpu.memory_space<hbm>>) target_semaphore(%arg8 : memref<!tpu.dma_semaphore, #tpu.memory_space<semaphore_mem>>)
    %add3A_274 = arith.constant 96 : i32
    %add3A_275 = arith.addi %mul3A_2, %add3A_274 : i32
    %dma_wait3A_276 = arith.constant 0 : i32
    %dma_wait3A_277 = arith.constant 0 : i32
    %dma_wait3A_278 = arith.constant 0 : i32
    %dma_wait3A_279 = arith.constant 0 : i32
    %dma_wait3A_280 = tpu.memref_slice %arg6[%dma_wait3A_276, %dma_wait3A_277, %dma_wait3A_278, %dma_wait3A_279] : memref<1x32x26x129xf32, #tpu.memory_space<vmem>> -> memref<1x32x26x129xf32, #tpu.memory_space<vmem>>
    %dma_wait3A_281 = tpu.memref_squeeze %dma_wait3A_280 : memref<1x32x26x129xf32, #tpu.memory_space<vmem>> -> memref<32x26x129xf32, #tpu.memory_space<vmem>>
    %dma_wait3A_282 = arith.constant 0 : i32
    %dma_wait3A_283 = arith.constant 0 : i32
    %dma_wait3A_284 = tpu.memref_slice %arg4[%add3A_275, %dma_wait3A_282, %dma_wait3A_283] : memref<4096x26x129xf32, #tpu.memory_space<hbm>> -> memref<32x26x129xf32, #tpu.memory_space<hbm>>
    %dma_wait3A_285 = arith.constant 0 : i32
    %dma_wait3A_286 = arith.constant 0 : i32
    %dma_wait3A_287 = tpu.memref_slice %arg4[%add3A_275, %dma_wait3A_285, %dma_wait3A_286] : memref<4096x26x129xf32, #tpu.memory_space<hbm>> -> memref<32x26x129xf32, #tpu.memory_space<hbm>>
    %dma_wait3A_288 = arith.constant 0 : i32
    %dma_wait3A_289 = arith.constant 0 : i32
    %dma_wait3A_290 = arith.constant 0 : i32
    %dma_wait3A_291 = tpu.memref_slice %arg6[%dma_wait3A_276, %dma_wait3A_288, %dma_wait3A_289, %dma_wait3A_290] : memref<1x32x26x129xf32, #tpu.memory_space<vmem>> -> memref<1x32x26x129xf32, #tpu.memory_space<vmem>>
    %dma_wait3A_292 = tpu.memref_squeeze %dma_wait3A_291 : memref<1x32x26x129xf32, #tpu.memory_space<vmem>> -> memref<32x26x129xf32, #tpu.memory_space<vmem>>
    tpu.wait_dma2 semaphore(%arg8 : memref<!tpu.dma_semaphore, #tpu.memory_space<semaphore_mem>>) src(%dma_wait3A_292 : memref<32x26x129xf32, #tpu.memory_space<vmem>>) dst(%dma_wait3A_287 : memref<32x26x129xf32, #tpu.memory_space<hbm>>)
    return
  }
}

</mosaic_0001>

<sc_bundles>
// kernel: kernel.3.cloned.1.call-start
scs
__scs_entry_jumppad:
0x0: {  	(pc) =	sbr.rel $0x88, $3  }
0x1: {  	(tag) =	ssettag $0x0;
	lr =	simm.s32 $0x1  }
0x2: {  	[smem:$0x3F9F] =	sst lr;
	_ =	strace $0xD0000000  }
0x3: {  	_ = 	snop  }
0x4: {  	_ = 	snop  }
0x5: {  	_ = 	snop  }
0x6: {  	_ = 	snop  }
0x7: {  	_ = 	snop  }
__scs_overlays_trampoline_lowered:
0x8: {  	[smem:$0x3FAE] =	sst s0  }
0x9: {  	[smem:$0x3FAF] =	sst s1  }
0xa: {  	[smem:$0x3FB0] =	sst s2  }
0xb: {  	[smem:$0x3FB1] =	sst s3  }
0xc: {  	[smem:$0x3FB2] =	sst s4  }
0xd: {  	[smem:$0x3FB3] =	sst s5  }
0xe: {  	[smem:$0x3FB4] =	sst s6  }
0xf: {  	[smem:$0x3FB5] =	sst s7  }
0x10: {  	[smem:$0x3FB6] =	sst s8  }
0x11: {  	[smem:$0x3FB7] =	sst s9;
	s0 =	simm.s32 @!p0 $0x0  }
0x12: {  	s1 =	sld [smem:$0x3F9D];
	s0 =	simm.s32 @p0 $0x1  }
0x13: {  	[smem:$0x3FB8] =	sst s0;
	s0 =	simm.s32 @!p1 $0x0  }
0x14: {  	s2 =	sld [smem:$0x3F9C];
	s0 =	simm.s32 @p1 $0x1  }
0x15: {  	[smem:$0x3FB9] =	sst s0;
	s0 =	simm.s32 @!p2 $0x0  }
0x16: {  	s3 =	sld [smem:$0x3FDB];
	s0 =	simm.s32 @p2 $0x1  }
0x17: {  	s4 =	simm.s32 $0x1BF5;
	[smem:$0x3FBB] =	sst s0  }
0x18: {  	s0 =	sld [smem:$0x3F9E];
	_ =	swait.ge [sflag:s4], $0x0  }
0x19: {  	s7 =	sld [smem:$0x3F9F]  }
0x1a: {  	s8 =	sadd.s32 $0xFFFFE003, lr  }
0x1b: {  	s9 =	sadd.s32 $0xFFFFFEF7, lr;
	s5 =	simm.s32 $0xFFFFFFFF;
	p2 =	slt.u32 s8, $0xFFFFF086  }
0x1c: {  	p1 =	slt.u32 s9, $0xF7A;
	s5 =	simm.s32 @!p2 $0x0  }
0x1d: {  	s5 =	simm.s32 @p1 $0x1;
	p0 =	seq.s32 s7, s2  }
0x1e: {  	s7 =	smul.u32 @!p0 $0xF7A, s2;
	p2 =	seq.s32 @!p0 s5, $0x0  }
0x1f: {  	s9 =	smul.u32 $0xF7A, s1;
	s8 =	simm.s32 @!p0 $0x1BF5;
	p2 =	por !p2, p0  }
0x20: {  	[sflag:s8] =	ssyncset.s32 @!p0 $0xFFFFF086;
	s6 =	sadd.s32 @!p0 s3, s7;
	s7 =	simm.s32 @!p0 $0x108  }
0x21: {  	s3 =	sadd.s32 s3, s9;
	s6 =	sadd.s32 @!p0 $0x88, s6;
	s7 =	simm.s32 @p2 $0x1082  }
0x22: {  	[simem:s7], [sflag:s8] =	dma.local @!p0 [hbm:s6], $0xF7A  }
0x23: {  	s9 =	sor.u32 $0xD0000000, s2;
	s6 =	simm.s32 $0x108;
	_ =	swait.ge @!p0 [sflag:s8], $0x0  }
0x24: {  	s3 =	sadd.s32 $0x88, s3;
	s6 =	simm.s32 @!p1 $0x1082;
	[sflag:s4] =	ssyncset.s32 $0xFFFFF086  }
0x25: {  	[simem:s6], [sflag:s4] =	dma.local [hbm:s3], $0xF7A  }
0x26: {  	[smem:$0x3F9F] =	sst s1;
	(tag) =	ssettag s2;
	_ =	strace s9  }
0x27: {  	s1 =	sld [smem:$0x3FAF]  }
0x28: {  	s2 =	sld [smem:$0x3FB0]  }
0x29: {  	s4 =	sld [smem:$0x3FB2]  }
0x2a: {  	p0 =	seq.s32 s5, $0x0;
	s5 =	sld [smem:$0x3FB3]  }
0x2b: {  	s6 =	sld [smem:$0x3FB4]  }
0x2c: {  	s7 =	sld [smem:$0x3FB5]  }
0x2d: {  	s3 =	simm.s32 $0x108;
	s8 =	sld [smem:$0x3FB6]  }
0x2e: {  	s3 =	simm.s32 @!p0 $0x1082;
	s9 =	sld [smem:$0x3FB7]  }
0x2f: {  	lr =	sadd.s32 s0, s3;
	s0 =	sld [smem:$0x3FAE]  }
0x30: {  	s3 =	sld [smem:$0x3FB1]  }
0x31: {  	[smem:$0x3FBA] =	sst s10  }
0x32: {  	s10 =	sld [smem:$0x3FB8];
	_ =	sdelay $0x3  }
0x33: {  	p0 =	seq.s32 s10, $0x1;
	s10 =	sld [smem:$0x3FBA];
	_ =	sdelay $0x3  }
0x34: {  	[smem:$0x3FBA] =	sst s10  }
0x35: {  	s10 =	sld [smem:$0x3FB9];
	_ =	sdelay $0x3  }
0x36: {  	p1 =	seq.s32 s10, $0x1;
	s10 =	sld [smem:$0x3FBA];
	_ =	sdelay $0x3  }
0x37: {  	[smem:$0x3FBA] =	sst s10  }
0x38: {  	s10 =	sld [smem:$0x3FBB]  }
0x39: {  	_ = 	snop;
	(pc) =	sbr.ind lr, $3  }
0x3a: {  	_ = 	snop  }
0x3b: {  	_ = 	snop  }
0x3c: {  	p2 =	seq.s32 s10, $0x1;
	s10 =	sld [smem:$0x3FBA]  }
0x3d: {  	_ =	shalt  }
0x3e: {  	_ =	shalt  }
0x3f: {  	_ =	shalt  }
0x40: {  	_ =	shalt  }
0x41: {  	_ =	shalt  }
0x42: {  	_ =	shalt  }
0x43: {  	_ =	shalt  }
0x44: {  	_ =	shalt  }
0x45: {  	_ =	shalt  }
0x46: {  	_ =	shalt  }
0x47: {  	_ =	shalt  }
0x48: {  	_ =	shalt  }
0x49: {  	_ =	shalt  }
0x4a: {  	_ =	shalt  }
0x4b: {  	_ =	shalt  }
0x4c: {  	_ =	shalt  }
0x4d: {  	_ =	shalt  }
0x4e: {  	_ =	shalt  }
0x4f: {  	_ =	shalt  }
0x50: {  	_ =	shalt  }
0x51: {  	_ =	shalt  }
0x52: {  	_ =	shalt  }
0x53: {  	_ =	shalt  }
0x54: {  	_ =	shalt  }
0x55: {  	_ =	shalt  }
0x56: {  	_ =	shalt  }
0x57: {  	_ =	shalt  }
0x58: {  	_ =	shalt  }
0x59: {  	_ =	shalt  }
0x5a: {  	_ =	shalt  }
0x5b: {  	_ =	shalt  }
0x5c: {  	_ =	shalt  }
0x5d: {  	_ =	shalt  }
0x5e: {  	_ =	shalt  }
0x5f: {  	_ =	shalt  }
0x60: {  	_ =	shalt  }
0x61: {  	_ =	shalt  }
0x62: {  	_ =	shalt  }
0x63: {  	_ =	shalt  }
0x64: {  	_ =	shalt  }
0x65: {  	_ =	shalt  }
0x66: {  	_ =	shalt  }
0x67: {  	_ =	shalt  }
0x68: {  	_ =	shalt  }
0x69: {  	_ =	shalt  }
0x6a: {  	_ =	shalt  }
0x6b: {  	_ =	shalt  }
0x6c: {  	_ =	shalt  }
0x6d: {  	_ =	shalt  }
0x6e: {  	_ =	shalt  }
0x6f: {  	_ =	shalt  }
0x70: {  	_ =	shalt  }
0x71: {  	_ =	shalt  }
0x72: {  	_ =	shalt  }
0x73: {  	_ =	shalt  }
0x74: {  	_ =	shalt  }
0x75: {  	_ =	shalt  }
0x76: {  	_ =	shalt  }
0x77: {  	_ =	shalt  }
0x78: {  	_ =	shalt  }
0x79: {  	_ =	shalt  }
0x7a: {  	_ =	shalt  }
0x7b: {  	_ =	shalt  }
0x7c: {  	_ =	shalt  }
0x7d: {  	_ =	shalt  }
0x7e: {  	_ =	shalt  }
0x7f: {  	_ =	shalt  }
0x80: {  	_ =	shalt  }
0x81: {  	_ =	shalt  }
0x82: {  	_ =	shalt  }
0x83: {  	_ =	shalt  }
0x84: {  	_ =	shalt  }
0x85: {  	_ =	shalt  }
0x86: {  	_ =	shalt  }
0x87: {  	_ =	shalt  }
.Lfunc_end0:
.L_simem_size_0:
called_computation.1_lowered:
.L_overlay_start_0:
0x88: {  	s2 =	sld [smem:$0x3FD9]  }
0x89: {  	s3 =	sld [smem:$0x3FFE];
	_ =	sdelay $0x1  }
0x8a: {  	s1 =	srdreg.scid  }
0x8b: {  	s0 =	sand.u32 $0x1, s1  }
0x8c: {  	s17 =	sshll.u32 s0, $0xA;
	s2 =	sadd.s32 s3, s2  }
0x8d: {  	s2 =	sadd.s32 s2, s17  }
0x8e: {  	[smem:$0x3FC6] =	sst s2  }
0x8f: {  	_ = 	snop  }
0x90: {  	s2 =	sld [smem:$0x3FC9]  }
0x91: {  	s18 =	sld [smem:$0x3FD0];
	(tm) =	ssettm $0x1  }
0x92: {  	s4 =	sld [smem:$0x3FFB];
	_ =	sdelay $0x3  }
0x93: {  	_ =	strace s4  }
0x94: {  	s4 =	sld [smem:$0x3FFC];
	_ =	sdelay $0x3  }
0x95: {  	_ =	strace s4  }
0x96: {  	s4 =	sld [smem:$0x3FFD];
	_ =	sdelay $0x3  }
0x97: {  	_ =	strace s4  }
0x98: {  	_ =	strace $0x8FFFFFFF  }
0x99: {  	s19 =	sld [smem:$0x3FDB];
	_ =	sdelay $0x1  }
0x9a: {  	s5 =	simm.s32 $_scs_section_size  }
0x9b: {  	s6 =	simm.s32 $_size__tile_overlayer_lowered;
	s7 =	simm.s32 $_tile_overlayer_lowered  }
0x9c: {  	s22 =	simm.s32 $0x1BFF;
	s21 =	sshll.u32 s7, $0x1;
	s4 =	sadd.s32 s5, s19  }
0x9d: {  	s8 =	simm.s32 $0x0;
	s20 =	sshll.u32 s6, $0x1;
	s6 =	sadd.s32 s21, s4  }
0x9e: {  	[timem:s8], [sflag:s22] =	dma.local [hbm:s6], s20  }
0x9f: {  	_ =	swait.ge [sflag:s22], s20  }
0xa0: {  	s5 =	ssub.s32 $0x0, s20;
	[sflag:s22] =	ssyncset.done $0x0  }
0xa1: {  	[sflag:s22] =	ssyncadd.s32 s5;
	_ =	sdelay $0x1  }
0xa2: {  	s23 =	simm.s32 $0x1B8B  }
0xa3: {  	_ =	swait.ge [sflag:s23], $0x1  }
0xa4: {  	[sflag:s23] =	ssyncset.done $0x0  }
0xa5: {  	s25 =	simm.s32 $0x1B8E;
	s24 =	sld [smem:$0x3FFE];
	[sflag:s23] =	ssyncadd.s32 $0xFFFFFFFF  }
0xa6: {  	s26 =	simm.s32 $execute0_lowered;
	[smem:$0x3FD2] =	sst s25  }
0xa7: {  	s6 =	sshll.u32 s26, $0x1;
	_ =	strace $0x80000046;
	[dreg:$0x1] =	wrdreg $0xFFFFFFFF  }
0xa8: {  	s28 =	simm.s32 $_size_execute0_lowered;
	s4 =	sadd.s32 s4, s6;
	[dreg:$0x0] =	wrdreg $0x0  }
0xa9: {  	s6 =	sshll.u32 s28, $0x1;
	[dreg:$0x2] =	wrdreg s4  }
0xaa: {  	[dreg:$0x3] =	wrdreg s6  }
0xab: {  	[dreg:$0x4] =	wrdreg $0xC0  }
0xac: {  	_ =	task [dreg:s8], $0x5FFFF  }
0xad: {  	[dreg:$0x1] =	wrdreg $0xFFFFFFFF  }
0xae: {  	[dreg:$0x0] =	wrdreg $0x60  }
0xaf: {  	[dreg:$0x2] =	wrdreg s2  }
0xb0: {  	[dreg:$0x3] =	wrdreg s18  }
0xb1: {  	[dreg:$0x4] =	wrdreg s24  }
0xb2: {  	[dreg:$0x5] =	wrdreg $0x9  }
0xb3: {  	_ =	task.clear_ibuf [dreg:s8], $0x6FFFF;
	_ =	strace $0x90000046  }
0xb4: {  	s29 =	simm.s32 $0x9;
	_ =	strace $0x80000048  }
0xb5: {  	_ =	swait.ge [sflag:s29], $0x1  }
0xb6: {  	[sflag:s29] =	ssyncadd.s32 $0xFFFFFFFF  }
0xb7: {  	_ =	strace $0x90000048  }
0xb8: {  	_ =	sfence  }
0xb9: {  	s30 =	sld [smem:$0x0];
	_ =	sdelay $0x2  }
0xba: {  	s31 =	sshll.u32 s1, $0xD;
	s1 =	sshrl.u32 s1, $0x2  }
0xbb: {  	s3 =	sand.u32 $0x4000, s31;
	s1 =	sadd.s32 s1, s30  }
0xbc: {  	s0 =	sor.u32 s3, s0;
	s1 =	sshll.u32 s1, $0x11  }
0xbd: {  	s0 =	sor.u32 s1, s0  }
0xbe: {  	s0 =	sadd.s32 $0x8F2B, s0  }
0xbf: {  	[sflag:s0] =	ssyncadd.remote.s32 $0x1  }
0xc0: {  	_ =	sfence.sel $0xFFFF  }
0xc1: {  	[dreg:$0x0] =	wrdreg $0xFFFFFFFF;
	(pc) =	sbr.abs _section_cstart, $3  }
0xc2: {  	[dreg:$0x1] =	wrdreg $0xFFFFFFFF  }
0xc3: {  	_ =	task.clear_ibuf [dreg:s8], $0x2FFFF;
	_ =	strace $0x9FFFFFFF  }
0xc4: {  	(tm) =	ssettm $0x7FFFFFFF  }
0xc5: {  	_ =	shalt  }
tec
execute0_lowered:
.L_overlay_start_1:
0x0: {  	(tag) =	ssettag $0x1  }
0x1: {  	s10 =	rddreg [dreg:$0x0]  }
0x2: {  	s3 =	rddreg [dreg:$0x1]  }
0x3: {  	s4 =	rddreg [dreg:$0x2];
	s2 =	srdreg.scid  }
0x4: {  	s0 =	rddreg [dreg:$0x3];
	s1 =	stileid.u32;
	s16 =	simm.s32 $0x1  }
0x5: {  	s17 =	simm.s32 $0xD00;
	s18 =	simm.s32 $0x2;
	s19 =	simm.s32 $0x0  }
0x6: {  	s5 =	sand.u32 $0x1, s2;
	s2 =	simm.s32 $0x0;
	s6 =	sshll.u32 s1, $0x8  }
0x7: {  	s11 =	sadd.s32 $0x800, s4;
	s7 =	sshll.u32 s5, $0x7;
	s5 =	ssub.s32 $0x2, s5  }
0x8: {  	[smem:$0x7FF] =	sst s2;
	s8 =	sor.u32 s7, s6;
	s25 =	sshrl.u32 s5, $0x1  }
0x9: {  	_ =	strace $0x80000047;
	s7 =	sshrl.u32 s8, $0x3;
	s12 =	ssub.s32 s5, s25  }
0xa: {  	s26 =	sshll.u32 s8, $0x4;
	s28 =	smul.u32 $0x1BA, s8;
	s29 =	sor.u32 $0x20, s8  }
0xb: {  	s13 =	sor.u32 $0x40, s8;
	s8 =	sor.u32 $0x60, s8;
	s3 =	sadd.s32 s3, s7  }
0xc: {  	s4 =	sadd.s32 s10, s26;
	s30 =	sshll.u32 s29, $0x4;
	s9 =	smul.u32 $0x1BA, s29  }
0xd: {  	s31 =	smul.u32 $0x1BA, s13;
	s13 =	sshll.u32 s13, $0x4;
	s14 =	sshll.u32 s8, $0x4  }
0xe: {  	v0 =	vlaneseq.u32;
	s15 =	smul.u32 $0x1BA, s8;
	s12 =	smax.u32 s12, $0x1;
	s5 =	sadd.s32 s11, s28  }
0xf: {  	v1 =	vmul.u32 $0xDD0, v0;
	s6 =	sadd.s32 s10, s30;
	s8 =	sadd.s32 s10, s13;
	s10 =	sadd.s32 s10, s14  }
0x10: {  	s13 =	simm.s32 $0x80;
	s14 =	simm.s32 $0x1000;
	s7 =	sadd.s32 s11, s9  }
0x11: {  	v0 =	vadd.s32 $0x80, v1;
	v1 =	vadd.s32 $0xDD80, v1;
	s9 =	sadd.s32 s11, s31;
	s11 =	sadd.s32 s11, s15;
	s15 =	simm.s32 $0x3  }
.LBB2_1:
0x12: {  	[tilespmem:s2], [sflag:$0x3] =	stream.strided.gather [hbm4b:s3+s13], $0xD00, s14, s13, $0x38;
	[tilespmem:$0x1C700] =	vst v63  }
0x13: {  	_ =	swait.ge [sflag:s15], $0xD00  }
0x14: {  	[sflag:s15] =	ssyncset.done $0x0  }
0x15: {  	s20 =	simm.s32 $0xD00;
	s21 =	simm.s32 $0x0;
	[sflag:s15] =	ssyncadd.s32 $0xFFFFF300  }
.LBB2_2:
0x16: {  	s22 =	sshll.u32 s21, $0x10  }
0x17: {  	s23 =	simm.s32 $0x10;
	s22 =	sadd.s32 s22, s4  }
0x18: {  	s24 =	sadd.s32 $0xDD0, s20;
	s25 =	smov.u32 s20;
	s26 =	sadd.s32 $0x0, s22  }
.LBB2_3:
0x19: {  	[tilespmem:s25], [sflag:$0x1] =	stream.linear.gather [hbm4b:s26+s2], $0x80, $0x38;
	[tilespmem:$0x1C700] =	vst v63  }
0x1a: {  	s26 =	smov.u32 s23;
	s25 =	smov.u32 s24;
	p0 =	sne.s32 s23, $0x1F0  }
.Ltmp0:
0x1b: {  	s23 =	sadd.s32 $0x10, s23;
	(pc) =	sbr.rel @p0 .LBB2_3-.Ltmp0, $2  }
0x1c: {  	_ =	sdelay $0x2  }
0x1d: {  	s24 =	sadd.s32 $0xDD0, s24;
	s26 =	sadd.s32 s26, s22  }
0x1e: {  	s21 =	sadd.s32 $0x1, s21  }
0x1f: {  	p0 =	sne.s32 s21, $0x1A  }
.Ltmp1:
0x20: {  	_ = 	snop;
	(pc) =	sbr.rel @p0 .LBB2_2-.Ltmp1, $3  }
0x21: {  	_ =	sdelay $0x1  }
0x22: {  	[tilespmem:s25], [sflag:$0x1] =	stream.linear.gather [hbm4b:s26+s2], $0x80, $0x38;
	[tilespmem:$0x1C700] =	vst v63  }
0x23: {  	s20 =	sadd.s32 $0x88, s20  }
0x24: {  	_ =	swait.ge [sflag:s16], $0x1A000  }
0x25: {  	s21 =	simm.s32 $0x0;
	[sflag:s16] =	ssyncset.done $0x0  }
0x26: {  	s20 =	simm.s32 $0x10;
	v2 =	vmov s21;
	[sflag:s16] =	ssyncadd.s32 $0xFFFE6000  }
0x27: {  	v2 =	vmul.u32 $0x88, v2;
	v3 =	vld [tilespmem:s20+$0xFFFFFFF0];
	_ =	sdelay $0x1  }
0x28: {  	v2 =	vbroadcast v2, $0x0;
	_ =	sdelay $0x1  }
0x29: {  	v4 =	vadd.s32 v0, v2  }
0x2a: {  	v3 =	vshll.u32 v3, $0x1  }
0x2b: {  	v3 =	vsub.s32 $0x1, v3  }
0x2c: {  	v3 =	vcvt.s32.f32 v3;
	_ =	sdelay $0x1  }
0x2d: {  	[tilespmem:v4+s17+$0x0] =	vst.idx.msk $0xffff, v3  }
0x2e: {  	v3 =	vld [tilespmem:s20+$0x0];
	_ =	sdelay $0x3  }
0x2f: {  	v2 =	vadd.s32 v1, v2  }
0x30: {  	v3 =	vshll.u32 v3, $0x1  }
0x31: {  	v3 =	vsub.s32 $0x1, v3  }
0x32: {  	s22 =	simm.s32 $0x1;
	s21 =	simm.s32 $0x2;
	v3 =	vcvt.s32.f32 v3  }
.LBB2_6:
0x33: {  	p0 =	sne.s32 s21, $0x19  }
0x34: {  	v4 =	vmov s22;
	s20 =	sadd.s32 $0x80, s20;
	s22 =	smov.u32 s21;
	s21 =	sadd.s32 $0x1, s21;
	[tilespmem:v2+s17+$0x0] =	vst.idx.msk $0xffff, v3  }
0x35: {  	v3 =	vmul.u32 $0x88, v4;
	v2 =	vld [tilespmem:s20+$0xFFFFFFF0];
	_ =	sdelay $0x1  }
0x36: {  	v3 =	vbroadcast v3, $0x0;
	_ =	sdelay $0x1  }
0x37: {  	v4 =	vadd.s32 v0, v3  }
0x38: {  	v2 =	vshll.u32 v2, $0x1  }
0x39: {  	v2 =	vsub.s32 $0x1, v2  }
0x3a: {  	v2 =	vcvt.s32.f32 v2;
	_ =	sdelay $0x1  }
0x3b: {  	[tilespmem:v4+s17+$0x0] =	vst.idx.msk $0xffff, v2  }
0x3c: {  	v4 =	vld [tilespmem:s20+$0x0];
	_ =	sdelay $0x2  }
.Ltmp2:
0x3d: {  	(pc) =	sbr.rel @p0 .LBB2_6-.Ltmp2, $4  }
0x3e: {  	v2 =	vadd.s32 v1, v3  }
0x3f: {  	v3 =	vshll.u32 v4, $0x1  }
0x40: {  	v3 =	vsub.s32 $0x1, v3  }
0x41: {  	v3 =	vcvt.s32.f32 v3  }
0x42: {  	_ =	sdelay $0x3  }
0x43: {  	v4 =	vmov s22;
	s20 =	sadd.s32 $0x80, s20;
	[tilespmem:v2+s17+$0x0] =	vst.idx.msk $0xffff, v3  }
0x44: {  	v3 =	vmul.u32 $0x88, v4;
	v2 =	vld [tilespmem:s20+$0xFFFFFFF0];
	_ =	sdelay $0x1  }
0x45: {  	v3 =	vbroadcast v3, $0x0;
	_ =	sdelay $0x1  }
0x46: {  	v63 =	vadd.s32 v0, v3  }
0x47: {  	v2 =	vshll.u32 v2, $0x1  }
0x48: {  	v2 =	vsub.s32 $0x1, v2  }
0x49: {  	v2 =	vcvt.s32.f32 v2;
	_ =	sdelay $0x1  }
0x4a: {  	[tilespmem:v63+s17+$0x0] =	vst.idx.msk $0xffff, v2  }
0x4b: {  	v2 =	vld [tilespmem:s20+$0x0];
	_ =	sdelay $0x3  }
0x4c: {  	v3 =	vadd.s32 v1, v3  }
0x4d: {  	v2 =	vshll.u32 v2, $0x1  }
0x4e: {  	v2 =	vsub.s32 $0x1, v2  }
0x4f: {  	v2 =	vcvt.s32.f32 v2;
	_ =	sdelay $0x1  }
0x50: {  	s21 =	simm.s32 $0xD00;
	s20 =	simm.s32 $0x0;
	[tilespmem:v3+s17+$0x0] =	vst.idx.msk $0xffff, v2  }
0x51: {  	[hbm4b:s5+s20] =	stream.linear.scatter [tilespmem:s21], [sflag:$0x2], $0x1BA00, $0x38;
	[tilespmem:$0x1C700] =	vst v63  }
0x52: {  	_ =	swait.ge [sflag:s18], $0x1BA00  }
0x53: {  	[sflag:s18] =	ssyncset.done $0x0  }
0x54: {  	[sflag:s18] =	ssyncadd.s32 $0xFFFE4600  }
.LBB2_8:
0x55: {  	s22 =	sshll.u32 s20, $0x10  }
0x56: {  	s23 =	simm.s32 $0x10;
	s22 =	sadd.s32 s22, s6  }
0x57: {  	s24 =	sadd.s32 $0xDD0, s21;
	s25 =	smov.u32 s21;
	s26 =	sadd.s32 $0x0, s22  }
.LBB2_9:
0x58: {  	[tilespmem:s25], [sflag:$0x1] =	stream.linear.gather [hbm4b:s26+s2], $0x80, $0x38;
	[tilespmem:$0x1C700] =	vst v63  }
0x59: {  	s26 =	smov.u32 s23;
	s25 =	smov.u32 s24;
	p0 =	sne.s32 s23, $0x1F0  }
.Ltmp3:
0x5a: {  	s23 =	sadd.s32 $0x10, s23;
	(pc) =	sbr.rel @p0 .LBB2_9-.Ltmp3, $2  }
0x5b: {  	_ =	sdelay $0x2  }
0x5c: {  	s24 =	sadd.s32 $0xDD0, s24;
	s26 =	sadd.s32 s26, s22  }
0x5d: {  	s20 =	sadd.s32 $0x1, s20  }
0x5e: {  	p0 =	sne.s32 s20, $0x1A  }
.Ltmp4:
0x5f: {  	_ = 	snop;
	(pc) =	sbr.rel @p0 .LBB2_8-.Ltmp4, $3  }
0x60: {  	_ =	sdelay $0x1  }
0x61: {  	[tilespmem:s25], [sflag:$0x1] =	stream.linear.gather [hbm4b:s26+s2], $0x80, $0x38;
	[tilespmem:$0x1C700] =	vst v63  }
0x62: {  	s21 =	sadd.s32 $0x88, s21  }
0x63: {  	_ =	swait.ge [sflag:s16], $0x1A000  }
0x64: {  	s21 =	simm.s32 $0x0;
	[sflag:s16] =	ssyncset.done $0x0  }
0x65: {  	s20 =	simm.s32 $0x30;
	v2 =	vmov s21;
	[sflag:s16] =	ssyncadd.s32 $0xFFFE6000  }
0x66: {  	v2 =	vmul.u32 $0x88, v2;
	v3 =	vld [tilespmem:s20+$0xFFFFFFF0];
	_ =	sdelay $0x1  }
0x67: {  	v2 =	vbroadcast v2, $0x0;
	_ =	sdelay $0x1  }
0x68: {  	v4 =	vadd.s32 v0, v2  }
0x69: {  	v3 =	vshll.u32 v3, $0x1  }
0x6a: {  	v3 =	vsub.s32 $0x1, v3  }
0x6b: {  	v3 =	vcvt.s32.f32 v3;
	_ =	sdelay $0x1  }
0x6c: {  	[tilespmem:v4+s17+$0x0] =	vst.idx.msk $0xffff, v3  }
0x6d: {  	v3 =	vld [tilespmem:s20+$0x0];
	_ =	sdelay $0x3  }
0x6e: {  	v2 =	vadd.s32 v1, v2  }
0x6f: {  	v3 =	vshll.u32 v3, $0x1  }
0x70: {  	v3 =	vsub.s32 $0x1, v3  }
0x71: {  	s22 =	simm.s32 $0x1;
	s21 =	simm.s32 $0x2;
	v3 =	vcvt.s32.f32 v3  }
.LBB2_12:
0x72: {  	p0 =	sne.s32 s21, $0x19  }
0x73: {  	v4 =	vmov s22;
	s20 =	sadd.s32 $0x80, s20;
	s22 =	smov.u32 s21;
	s21 =	sadd.s32 $0x1, s21;
	[tilespmem:v2+s17+$0x0] =	vst.idx.msk $0xffff, v3  }
0x74: {  	v3 =	vmul.u32 $0x88, v4;
	v2 =	vld [tilespmem:s20+$0xFFFFFFF0];
	_ =	sdelay $0x1  }
0x75: {  	v3 =	vbroadcast v3, $0x0;
	_ =	sdelay $0x1  }
0x76: {  	v4 =	vadd.s32 v0, v3  }
0x77: {  	v2 =	vshll.u32 v2, $0x1  }
0x78: {  	v2 =	vsub.s32 $0x1, v2  }
0x79: {  	v2 =	vcvt.s32.f32 v2;
	_ =	sdelay $0x1  }
0x7a: {  	[tilespmem:v4+s17+$0x0] =	vst.idx.msk $0xffff, v2  }
0x7b: {  	v4 =	vld [tilespmem:s20+$0x0];
	_ =	sdelay $0x2  }
.Ltmp5:
0x7c: {  	(pc) =	sbr.rel @p0 .LBB2_12-.Ltmp5, $4  }
0x7d: {  	v2 =	vadd.s32 v1, v3  }
0x7e: {  	v3 =	vshll.u32 v4, $0x1  }
0x7f: {  	v3 =	vsub.s32 $0x1, v3  }
0x80: {  	v3 =	vcvt.s32.f32 v3  }
0x81: {  	_ =	sdelay $0x3  }
0x82: {  	v4 =	vmov s22;
	s20 =	sadd.s32 $0x80, s20;
	[tilespmem:v2+s17+$0x0] =	vst.idx.msk $0xffff, v3  }
0x83: {  	v3 =	vmul.u32 $0x88, v4;
	v2 =	vld [tilespmem:s20+$0xFFFFFFF0];
	_ =	sdelay $0x1  }
0x84: {  	v3 =	vbroadcast v3, $0x0;
	_ =	sdelay $0x1  }
0x85: {  	v63 =	vadd.s32 v0, v3  }
0x86: {  	v2 =	vshll.u32 v2, $0x1  }
0x87: {  	v2 =	vsub.s32 $0x1, v2  }
0x88: {  	v2 =	vcvt.s32.f32 v2;
	_ =	sdelay $0x1  }
0x89: {  	[tilespmem:v63+s17+$0x0] =	vst.idx.msk $0xffff, v2  }
0x8a: {  	v2 =	vld [tilespmem:s20+$0x0];
	_ =	sdelay $0x3  }
0x8b: {  	v3 =	vadd.s32 v1, v3  }
0x8c: {  	v2 =	vshll.u32 v2, $0x1  }
0x8d: {  	v2 =	vsub.s32 $0x1, v2  }
0x8e: {  	v2 =	vcvt.s32.f32 v2;
	_ =	sdelay $0x1  }
0x8f: {  	s21 =	simm.s32 $0xD00;
	s20 =	simm.s32 $0x0;
	[tilespmem:v3+s17+$0x0] =	vst.idx.msk $0xffff, v2  }
0x90: {  	[hbm4b:s7+s20] =	stream.linear.scatter [tilespmem:s21], [sflag:$0x2], $0x1BA00, $0x38;
	[tilespmem:$0x1C700] =	vst v63  }
0x91: {  	_ =	swait.ge [sflag:s18], $0x1BA00  }
0x92: {  	[sflag:s18] =	ssyncset.done $0x0  }
0x93: {  	[sflag:s18] =	ssyncadd.s32 $0xFFFE4600  }
.LBB2_14:
0x94: {  	s22 =	sshll.u32 s20, $0x10  }
0x95: {  	s23 =	simm.s32 $0x10;
	s22 =	sadd.s32 s22, s8  }
0x96: {  	s24 =	sadd.s32 $0xDD0, s21;
	s25 =	smov.u32 s21;
	s26 =	sadd.s32 $0x0, s22  }
.LBB2_15:
0x97: {  	[tilespmem:s25], [sflag:$0x1] =	stream.linear.gather [hbm4b:s26+s2], $0x80, $0x38;
	[tilespmem:$0x1C700] =	vst v63  }
0x98: {  	s26 =	smov.u32 s23;
	s25 =	smov.u32 s24;
	p0 =	sne.s32 s23, $0x1F0  }
.Ltmp6:
0x99: {  	s23 =	sadd.s32 $0x10, s23;
	(pc) =	sbr.rel @p0 .LBB2_15-.Ltmp6, $2  }
0x9a: {  	_ =	sdelay $0x2  }
0x9b: {  	s24 =	sadd.s32 $0xDD0, s24;
	s26 =	sadd.s32 s26, s22  }
0x9c: {  	s20 =	sadd.s32 $0x1, s20  }
0x9d: {  	p0 =	sne.s32 s20, $0x1A  }
.Ltmp7:
0x9e: {  	_ = 	snop;
	(pc) =	sbr.rel @p0 .LBB2_14-.Ltmp7, $3  }
0x9f: {  	_ =	sdelay $0x1  }
0xa0: {  	[tilespmem:s25], [sflag:$0x1] =	stream.linear.gather [hbm4b:s26+s2], $0x80, $0x38;
	[tilespmem:$0x1C700] =	vst v63  }
0xa1: {  	s21 =	sadd.s32 $0x88, s21  }
0xa2: {  	_ =	swait.ge [sflag:s16], $0x1A000  }
0xa3: {  	s21 =	simm.s32 $0x0;
	[sflag:s16] =	ssyncset.done $0x0  }
0xa4: {  	s20 =	simm.s32 $0x50;
	v2 =	vmov s21;
	[sflag:s16] =	ssyncadd.s32 $0xFFFE6000  }
0xa5: {  	v2 =	vmul.u32 $0x88, v2;
	v3 =	vld [tilespmem:s20+$0xFFFFFFF0];
	_ =	sdelay $0x1  }
0xa6: {  	v2 =	vbroadcast v2, $0x0;
	_ =	sdelay $0x1  }
0xa7: {  	v4 =	vadd.s32 v0, v2  }
0xa8: {  	v3 =	vshll.u32 v3, $0x1  }
0xa9: {  	v3 =	vsub.s32 $0x1, v3  }
0xaa: {  	v3 =	vcvt.s32.f32 v3;
	_ =	sdelay $0x1  }
0xab: {  	[tilespmem:v4+s17+$0x0] =	vst.idx.msk $0xffff, v3  }
0xac: {  	v3 =	vld [tilespmem:s20+$0x0];
	_ =	sdelay $0x3  }
0xad: {  	v2 =	vadd.s32 v1, v2  }
0xae: {  	v3 =	vshll.u32 v3, $0x1  }
0xaf: {  	v3 =	vsub.s32 $0x1, v3  }
0xb0: {  	s22 =	simm.s32 $0x1;
	s21 =	simm.s32 $0x2;
	v3 =	vcvt.s32.f32 v3  }
.LBB2_18:
0xb1: {  	p0 =	sne.s32 s21, $0x19  }
0xb2: {  	v4 =	vmov s22;
	s20 =	sadd.s32 $0x80, s20;
	s22 =	smov.u32 s21;
	s21 =	sadd.s32 $0x1, s21;
	[tilespmem:v2+s17+$0x0] =	vst.idx.msk $0xffff, v3  }
0xb3: {  	v3 =	vmul.u32 $0x88, v4;
	v2 =	vld [tilespmem:s20+$0xFFFFFFF0];
	_ =	sdelay $0x1  }
0xb4: {  	v3 =	vbroadcast v3, $0x0;
	_ =	sdelay $0x1  }
0xb5: {  	v4 =	vadd.s32 v0, v3  }
0xb6: {  	v2 =	vshll.u32 v2, $0x1  }
0xb7: {  	v2 =	vsub.s32 $0x1, v2  }
0xb8: {  	v2 =	vcvt.s32.f32 v2;
	_ =	sdelay $0x1  }
0xb9: {  	[tilespmem:v4+s17+$0x0] =	vst.idx.msk $0xffff, v2  }
0xba: {  	v4 =	vld [tilespmem:s20+$0x0];
	_ =	sdelay $0x2  }
.Ltmp8:
0xbb: {  	(pc) =	sbr.rel @p0 .LBB2_18-.Ltmp8, $4  }
0xbc: {  	v2 =	vadd.s32 v1, v3  }
0xbd: {  	v3 =	vshll.u32 v4, $0x1  }
0xbe: {  	v3 =	vsub.s32 $0x1, v3  }
0xbf: {  	v3 =	vcvt.s32.f32 v3  }
0xc0: {  	_ =	sdelay $0x3  }
0xc1: {  	v4 =	vmov s22;
	s20 =	sadd.s32 $0x80, s20;
	[tilespmem:v2+s17+$0x0] =	vst.idx.msk $0xffff, v3  }
0xc2: {  	v3 =	vmul.u32 $0x88, v4;
	v2 =	vld [tilespmem:s20+$0xFFFFFFF0];
	_ =	sdelay $0x1  }
0xc3: {  	v3 =	vbroadcast v3, $0x0;
	_ =	sdelay $0x1  }
0xc4: {  	v63 =	vadd.s32 v0, v3  }
0xc5: {  	v2 =	vshll.u32 v2, $0x1  }
0xc6: {  	v2 =	vsub.s32 $0x1, v2  }
0xc7: {  	v2 =	vcvt.s32.f32 v2;
	_ =	sdelay $0x1  }
0xc8: {  	[tilespmem:v63+s17+$0x0] =	vst.idx.msk $0xffff, v2  }
0xc9: {  	v2 =	vld [tilespmem:s20+$0x0];
	_ =	sdelay $0x3  }
0xca: {  	v3 =	vadd.s32 v1, v3  }
0xcb: {  	v2 =	vshll.u32 v2, $0x1  }
0xcc: {  	v2 =	vsub.s32 $0x1, v2  }
0xcd: {  	v2 =	vcvt.s32.f32 v2;
	_ =	sdelay $0x1  }
0xce: {  	s21 =	simm.s32 $0xD00;
	s20 =	simm.s32 $0x0;
	[tilespmem:v3+s17+$0x0] =	vst.idx.msk $0xffff, v2  }
0xcf: {  	[hbm4b:s9+s20] =	stream.linear.scatter [tilespmem:s21], [sflag:$0x2], $0x1BA00, $0x38;
	[tilespmem:$0x1C700] =	vst v63  }
0xd0: {  	_ =	swait.ge [sflag:s18], $0x1BA00  }
0xd1: {  	[sflag:s18] =	ssyncset.done $0x0  }
0xd2: {  	[sflag:s18] =	ssyncadd.s32 $0xFFFE4600  }
.LBB2_20:
0xd3: {  	s22 =	sshll.u32 s20, $0x10  }
0xd4: {  	s23 =	simm.s32 $0x10;
	s22 =	sadd.s32 s22, s10  }
0xd5: {  	s24 =	sadd.s32 $0xDD0, s21;
	s25 =	smov.u32 s21;
	s26 =	sadd.s32 $0x0, s22  }
.LBB2_21:
0xd6: {  	[tilespmem:s25], [sflag:$0x1] =	stream.linear.gather [hbm4b:s26+s2], $0x80, $0x38;
	[tilespmem:$0x1C700] =	vst v63  }
0xd7: {  	s26 =	smov.u32 s23;
	s25 =	smov.u32 s24;
	p0 =	sne.s32 s23, $0x1F0  }
.Ltmp9:
0xd8: {  	s23 =	sadd.s32 $0x10, s23;
	(pc) =	sbr.rel @p0 .LBB2_21-.Ltmp9, $2  }
0xd9: {  	_ =	sdelay $0x2  }
0xda: {  	s24 =	sadd.s32 $0xDD0, s24;
	s26 =	sadd.s32 s26, s22  }
0xdb: {  	s20 =	sadd.s32 $0x1, s20  }
0xdc: {  	p0 =	sne.s32 s20, $0x1A  }
.Ltmp10:
0xdd: {  	_ = 	snop;
	(pc) =	sbr.rel @p0 .LBB2_20-.Ltmp10, $3  }
0xde: {  	_ =	sdelay $0x1  }
0xdf: {  	[tilespmem:s25], [sflag:$0x1] =	stream.linear.gather [hbm4b:s26+s2], $0x80, $0x38;
	[tilespmem:$0x1C700] =	vst v63  }
0xe0: {  	s21 =	sadd.s32 $0x88, s21  }
0xe1: {  	_ =	swait.ge [sflag:s16], $0x1A000  }
0xe2: {  	s21 =	simm.s32 $0x0;
	[sflag:s16] =	ssyncset.done $0x0  }
0xe3: {  	s20 =	simm.s32 $0x70;
	v2 =	vmov s21;
	[sflag:s16] =	ssyncadd.s32 $0xFFFE6000  }
0xe4: {  	v2 =	vmul.u32 $0x88, v2;
	v3 =	vld [tilespmem:s20+$0xFFFFFFF0];
	_ =	sdelay $0x1  }
0xe5: {  	v2 =	vbroadcast v2, $0x0;
	_ =	sdelay $0x1  }
0xe6: {  	v4 =	vadd.s32 v0, v2  }
0xe7: {  	v3 =	vshll.u32 v3, $0x1  }
0xe8: {  	v3 =	vsub.s32 $0x1, v3  }
0xe9: {  	v3 =	vcvt.s32.f32 v3;
	_ =	sdelay $0x1  }
0xea: {  	[tilespmem:v4+s17+$0x0] =	vst.idx.msk $0xffff, v3  }
0xeb: {  	v3 =	vld [tilespmem:s20+$0x0];
	_ =	sdelay $0x3  }
0xec: {  	v2 =	vadd.s32 v1, v2  }
0xed: {  	v3 =	vshll.u32 v3, $0x1  }
0xee: {  	v3 =	vsub.s32 $0x1, v3  }
0xef: {  	s22 =	simm.s32 $0x1;
	s21 =	simm.s32 $0x2;
	v3 =	vcvt.s32.f32 v3  }
.LBB2_24:
0xf0: {  	p0 =	sne.s32 s21, $0x19  }
0xf1: {  	v4 =	vmov s22;
	s20 =	sadd.s32 $0x80, s20;
	s22 =	smov.u32 s21;
	s21 =	sadd.s32 $0x1, s21;
	[tilespmem:v2+s17+$0x0] =	vst.idx.msk $0xffff, v3  }
0xf2: {  	v3 =	vmul.u32 $0x88, v4;
	v2 =	vld [tilespmem:s20+$0xFFFFFFF0];
	_ =	sdelay $0x1  }
0xf3: {  	v3 =	vbroadcast v3, $0x0;
	_ =	sdelay $0x1  }
0xf4: {  	v4 =	vadd.s32 v0, v3  }
0xf5: {  	v2 =	vshll.u32 v2, $0x1  }
0xf6: {  	v2 =	vsub.s32 $0x1, v2  }
0xf7: {  	v2 =	vcvt.s32.f32 v2;
	_ =	sdelay $0x1  }
0xf8: {  	[tilespmem:v4+s17+$0x0] =	vst.idx.msk $0xffff, v2  }
0xf9: {  	v4 =	vld [tilespmem:s20+$0x0];
	_ =	sdelay $0x2  }
.Ltmp11:
0xfa: {  	(pc) =	sbr.rel @p0 .LBB2_24-.Ltmp11, $4  }
0xfb: {  	v2 =	vadd.s32 v1, v3  }
0xfc: {  	v3 =	vshll.u32 v4, $0x1  }
0xfd: {  	v3 =	vsub.s32 $0x1, v3  }
0xfe: {  	v3 =	vcvt.s32.f32 v3  }
0xff: {  	_ =	sdelay $0x3  }
0x100: {  	v4 =	vmov s22;
	s20 =	sadd.s32 $0x80, s20;
	[tilespmem:v2+s17+$0x0] =	vst.idx.msk $0xffff, v3  }
0x101: {  	v3 =	vmul.u32 $0x88, v4;
	v2 =	vld [tilespmem:s20+$0xFFFFFFF0];
	_ =	sdelay $0x1  }
0x102: {  	v3 =	vbroadcast v3, $0x0;
	_ =	sdelay $0x1  }
0x103: {  	v63 =	vadd.s32 v0, v3  }
0x104: {  	v2 =	vshll.u32 v2, $0x1  }
0x105: {  	v2 =	vsub.s32 $0x1, v2  }
0x106: {  	v2 =	vcvt.s32.f32 v2;
	_ =	sdelay $0x1  }
0x107: {  	[tilespmem:v63+s17+$0x0] =	vst.idx.msk $0xffff, v2  }
0x108: {  	v2 =	vld [tilespmem:s20+$0x0];
	_ =	sdelay $0x3  }
0x109: {  	v3 =	vadd.s32 v1, v3  }
0x10a: {  	v2 =	vshll.u32 v2, $0x1  }
0x10b: {  	v2 =	vsub.s32 $0x1, v2  }
0x10c: {  	s19 =	sadd.s32 $0x1, s19;
	v2 =	vcvt.s32.f32 v2  }
0x10d: {  	p0 =	sne.s32 s19, s12  }
.Ltmp12:
0x10e: {  	[tilespmem:v3+s17+$0x0] =	vst.idx.msk $0xffff, v2;
	(pc) =	sbr.rel @p0 .LBB2_1-.Ltmp12, $4  }
0x10f: {  	[hbm4b:s11+s2] =	stream.linear.scatter [tilespmem:s17], [sflag:$0x2], $0x1BA00, $0x38;
	[tilespmem:$0x1C700] =	vst v63  }
0x110: {  	_ =	swait.ge [sflag:s18], $0x1BA00  }
0x111: {  	[sflag:s18] =	ssyncset.done $0x0  }
0x112: {  	[sflag:s18] =	ssyncadd.s32 $0xFFFE4600  }
0x113: {  	_ =	sfence.sel $0x180000  }
0x114: {  	[bflag:$0x0] =	sbarrier.arrive $0xFFFF  }
0x115: {  	p0 =	sne.s32 s1, $0x0;
	_ =	strace $0x90000047  }
0x116: {  	s0 =	sadd.s32 @!p0 $0x100000, s0;
	[bflag:$0x2] =	sbarrier.arrive $0xFFFF  }
0x117: {  	[sflag:s0] =	ssyncadd.tile.s32 @!p0 $0x1;
	_ =	shalt  }
.Lfunc_end2:
_tile_overlayer_lowered:
.L_overlay_start_2:
0x118: {  	(tag) =	ssettag $0x2  }
0x119: {  	s0 =	rddreg [dreg:$0x0];
	s2 =	stileid.u32  }
0x11a: {  	s1 =	rddreg [dreg:$0x1];
	p0 =	sne.s32 s2, $0x0  }
0x11b: {  	s3 =	rddreg [dreg:$0x2];
	[bflag:$0x3] =	sbarrier.arrive $0xFFFF;
	s2 =	simm.s32 @!p0 $0x1C03  }
0x11c: {  	[timem:s3], [sflag:s2] =	dma.local @!p0 [hbm:s0], s1  }
0x11d: {  	s0 =	simm.s32 @!p0 $0x3  }
0x11e: {  	_ =	swait.ge @!p0 [sflag:s0], s1  }
0x11f: {  	s1 =	ssub.s32 @!p0 $0x0, s1;
	[sflag:s0] =	ssyncset.done @!p0 $0x0  }
0x120: {  	[sflag:s0] =	ssyncadd.s32 @!p0 s1  }
0x121: {  	[bflag:$0x3] =	sbarrier.arrive $0xFFFF  }
0x122: {  	_ =	shalt  }

// kernel: sparse-core-data-format-call.cloned.1.call-start
scs
called_computation_lowered:
.L_overlay_start_0:
0x0: {  	s2 =	sld [smem:$0x3FD9]  }
0x1: {  	s3 =	sld [smem:$0x3FFE];
	_ =	sdelay $0x1  }
0x2: {  	s1 =	srdreg.scid  }
0x3: {  	s0 =	sand.u32 $0x1, s1  }
0x4: {  	s18 =	sshll.u32 s0, $0xA;
	s2 =	sadd.s32 s3, s2  }
0x5: {  	s2 =	sadd.s32 s2, s18  }
0x6: {  	[smem:$0x3FC6] =	sst s2  }
0x7: {  	_ = 	snop  }
0x8: {  	s2 =	sld [smem:$0x3FD0];
	(tm) =	ssettm $0x1  }
0x9: {  	s19 =	sld [smem:$0x3FFB];
	_ =	sdelay $0x3  }
0xa: {  	_ =	strace s19  }
0xb: {  	s3 =	sld [smem:$0x3FFC];
	_ =	sdelay $0x3  }
0xc: {  	_ =	strace s3  }
0xd: {  	s3 =	sld [smem:$0x3FFD];
	_ =	sdelay $0x3  }
0xe: {  	_ =	strace s3  }
0xf: {  	_ =	strace $0x8FFFFFFF  }
0x10: {  	s20 =	sld [smem:$0x3FDB];
	_ =	sdelay $0x1  }
0x11: {  	s4 =	simm.s32 $_scs_section_size  }
0x12: {  	s5 =	simm.s32 $_size__tile_overlayer_lowered;
	s6 =	simm.s32 $_tile_overlayer_lowered  }
0x13: {  	s23 =	simm.s32 $0x1BFF;
	s22 =	sshll.u32 s6, $0x1;
	s3 =	sadd.s32 s4, s20  }
0x14: {  	s7 =	simm.s32 $0x0;
	s21 =	sshll.u32 s5, $0x1;
	s5 =	sadd.s32 s22, s3  }
0x15: {  	[timem:s7], [sflag:s23] =	dma.local [hbm:s5], s21  }
0x16: {  	_ =	swait.ge [sflag:s23], s21  }
0x17: {  	s4 =	ssub.s32 $0x0, s21;
	[sflag:s23] =	ssyncset.done $0x0  }
0x18: {  	[sflag:s23] =	ssyncadd.s32 s4;
	_ =	sdelay $0x1  }
0x19: {  	s24 =	simm.s32 $0x1B8B  }
0x1a: {  	_ =	swait.ge [sflag:s24], $0x1  }
0x1b: {  	[sflag:s24] =	ssyncset.done $0x0  }
0x1c: {  	s26 =	simm.s32 $0x1B8E;
	s25 =	sld [smem:$0x3FFE];
	[sflag:s24] =	ssyncadd.s32 $0xFFFFFFFF  }
0x1d: {  	s27 =	simm.s32 $execute0_lowered;
	[smem:$0x3FD2] =	sst s26  }
0x1e: {  	s5 =	sshll.u32 s27, $0x1;
	_ =	strace $0x80000049;
	[dreg:$0x1] =	wrdreg $0xFFFFFFFF  }
0x1f: {  	s28 =	simm.s32 $_size_execute0_lowered;
	s3 =	sadd.s32 s3, s5;
	[dreg:$0x0] =	wrdreg $0x0  }
0x20: {  	s5 =	sshll.u32 s28, $0x1;
	[dreg:$0x2] =	wrdreg s3  }
0x21: {  	[dreg:$0x3] =	wrdreg s5  }
0x22: {  	[dreg:$0x4] =	wrdreg $0xC0  }
0x23: {  	_ =	task [dreg:s7], $0x5FFFF  }
0x24: {  	[dreg:$0x1] =	wrdreg $0xFFFFFFFF  }
0x25: {  	[dreg:$0x0] =	wrdreg $0x60  }
0x26: {  	[dreg:$0x2] =	wrdreg s25  }
0x27: {  	[dreg:$0x3] =	wrdreg s2  }
0x28: {  	[dreg:$0x4] =	wrdreg $0x9  }
0x29: {  	_ =	task.clear_ibuf [dreg:s7], $0x5FFFF;
	_ =	strace $0x90000049  }
0x2a: {  	s29 =	simm.s32 $0x9;
	_ =	strace $0x8000004B  }
0x2b: {  	_ =	swait.ge [sflag:s29], $0x1  }
0x2c: {  	[sflag:s29] =	ssyncadd.s32 $0xFFFFFFFF  }
0x2d: {  	_ =	strace $0x9000004B  }
0x2e: {  	_ =	sfence  }
0x2f: {  	s30 =	sld [smem:$0x0];
	_ =	sdelay $0x2  }
0x30: {  	s31 =	sshll.u32 s1, $0xD;
	s1 =	sshrl.u32 s1, $0x2  }
0x31: {  	s3 =	sand.u32 $0x4000, s31;
	s1 =	sadd.s32 s1, s30  }
0x32: {  	s0 =	sor.u32 s3, s0;
	s1 =	sshll.u32 s1, $0x11  }
0x33: {  	s0 =	sor.u32 s1, s0  }
0x34: {  	s0 =	sadd.s32 $0x8F2B, s0  }
0x35: {  	[sflag:s0] =	ssyncadd.remote.s32 $0x1  }
0x36: {  	_ =	sfence.sel $0xFFFF  }
0x37: {  	[dreg:$0x0] =	wrdreg $0xFFFFFFFF;
	(pc) =	sbr.abs _section_cstart, $3  }
0x38: {  	[dreg:$0x1] =	wrdreg $0xFFFFFFFF  }
0x39: {  	_ =	task.clear_ibuf [dreg:s7], $0x2FFFF;
	_ =	strace $0x9FFFFFFF  }
0x3a: {  	(tm) =	ssettm $0x7FFFFFFF  }
0x3b: {  	_ =	shalt  }
tec
execute0_lowered:
.L_overlay_start_1:
0x0: {  	(tag) =	ssettag $0x1  }
0x1: {  	s0 =	srdreg.scid  }
0x2: {  	s1 =	sshll.u32 s0, $0x4  }
0x3: {  	s6 =	rddreg [dreg:$0x0];
	s0 =	stileid.u32;
	s1 =	sand.u32 $0x10, s1  }
0x4: {  	s3 =	rddreg [dreg:$0x1];
	s1 =	sor.u32 s0, s1  }
0x5: {  	s5 =	simm.s32 $0x1;
	s31 =	simm.s32 $0x2;
	s2 =	sshll.u32 s1, $0x7  }
0x6: {  	s15 =	simm.s32 $0x0;
	s8 =	simm.s32 $0x8000;
	s4 =	ssub.s32 $0x1000, s2  }
0x7: {  	s14 =	simm.s32 $0x0;
	s9 =	simm.s32 $0x0;
	s30 =	sand.u32 $0xF80, s4  }
0x8: {  	s10 =	simm.s32 $0x0;
	s11 =	simm.s32 $0x0;
	p0 =	sne.s32 s30, $0x0  }
.Ltmp0:
0x9: {  	s7 =	sshrl.u32 s4, $0xC;
	s5 =	simm.s32 @!p0 $0x0;
	(pc) =	sbr.rel .LBB1_1-.Ltmp0, $4  }
0xa: {  	s13 =	simm.s32 $0x0;
	s1 =	rddreg [dreg:$0x2];
	s5 =	sadd.s32 s5, s7  }
0xb: {  	_ =	strace $0x8000004A;
	s4 =	simm.s32 $0x1;
	s5 =	smul.u32 $0x1B, s5  }
0xc: {  	s6 =	sadd.s32 $0x800, s6;
	s12 =	smov.u32 s2;
	[sflag:s4] =	ssyncpa.u1 $0x0  }
0xd: {  	[sflag:s31] =	ssyncpa.u1 $0x0;
	p0 =	por $0x0, $0x0;
	s7 =	sadd.s32 $0x1, s5  }
.LBB1_4:
0xe: {  	s20 =	sshra.s32 s20, $0x2  }
0xf: {  	s28 =	sand.u32 $0x78, s10;
	s21 =	sshll.u32 s9, $0xC;
	s22 =	sshll.u32 s10, $0x3  }
0x10: {  	s24 =	sshll.u32 s9, $0x7;
	p1 =	sgt.s32 s9, $0xCA0;
	s30 =	sshra.s32 s9, $0x1F  }
0x11: {  	s26 =	sshra.s32 s10, $0x1F;
	s19 =	sadd.s32 s20, s19;
	s21 =	sand.u32 $0xFFFF8000, s21  }
0x12: {  	v5 =	vld [tilespmem:s17+$0xFFFFFFD0];
	[tilespmem:s18+$0x2040 ss:$0x81] =	vst.msk $0xffff, v4;
	s23 =	sand.u32 $0xFFFFFC00, s22;
	s29 =	sand.u32 $0x380, s24;
	s22 =	sand.u32 $0xC00, s22  }
0x13: {  	v58 =	vld [tilespmem:s17+$0xFFFFFFE0];
	[tilespmem:s18+$0x2850 ss:$0x81] =	vst.msk $0xffff, v3;
	s21 =	sadd.s32 s23, s21;
	s20 =	sor.u32 s28, s22;
	s22 =	smov.u32 s9  }
0x14: {  	v59 =	vld [tilespmem:s17+$0xFFFFFFF0];
	[tilespmem:s18+$0x3060 ss:$0x81] =	vst.msk $0xffff, v2;
	s24 =	sand.u32 s30, s9;
	s21 =	sshrl.u32 s21, $0xC;
	s22 =	simm.s32 @!p1 $0xCA0  }
0x15: {  	v60 =	vld [tilespmem:s17+$0x0];
	[tilespmem:s18+$0x0 ss:$0x81] =	vst.msk $0xffff, v1;
	p1 =	sgt.s32 s10, $0xF80;
	s31 =	ssub.s32 s22, s24;
	s22 =	smov.u32 s10  }
0x16: {  	v61 =	vld [tilespmem:s17+$0x10];
	[tilespmem:s19+$0x3870 ss:$0x81] =	vst.msk $0xffff, v0;
	s25 =	smulhi.u32 $0x138139, s21;
	s24 =	sand.u32 s26, s10;
	s22 =	simm.s32 @!p1 $0xF80  }
0x17: {  	v62 =	vld [tilespmem:s17+$0x20];
	s20 =	sor.u32 s29, s20;
	[tilespmem:s19+$0x810 ss:$0x81] =	vst.msk $0xffff, v5;
	s27 =	sadd.s32 $0xFFFFF360, s31;
	s22 =	ssub.s32 s22, s24  }
0x18: {  	v63 =	vld [tilespmem:s17+$0xFFFFFFC0];
	[tilespmem:s19+$0x1020 ss:$0x81] =	vst.msk $0xffff, v58;
	s18 =	ssub.s32 $0xD20, s31;
	s28 =	smul.u32 $0xD20, s25;
	s29 =	sadd.s32 $0xFFFFF080, s22  }
0x19: {  	[tilespmem:s19+$0x1830 ss:$0x81] =	vst.msk $0xffff, v59;
	p1 =	sgt.s32 s27, $0x7F;
	s22 =	ssub.s32 $0x1000, s22;
	p2 =	sgt.s32 s29, $0x7F  }
0x1a: {  	s30 =	sand.u32 $0x7, s10;
	[tilespmem:s19+$0x2040 ss:$0x81] =	vst.msk $0xffff, v60;
	s18 =	simm.s32 @p1 $0x0;
	s22 =	simm.s32 @p2 $0x0  }
0x1b: {  	s20 =	sshrl.u32 s20, $0x3;
	[tilespmem:s19+$0x2850 ss:$0x81] =	vst.msk $0xffff, v61;
	s17 =	ssub.s32 s21, s28;
	s18 =	smul.u32 s22, s18  }
0x1c: {  	[tilespmem:s19+$0x3060 ss:$0x81] =	vst.msk $0xffff, v62;
	s20 =	sadd.s32 s3, s20;
	s21 =	sshll.u32 s30, $0x12;
	s17 =	sshll.u32 s17, $0x9  }
0x1d: {  	[tilespmem:s19+$0x0 ss:$0x81] =	vst.msk $0xffff, v63;
	s31 =	sor.u32 $0x400, s21;
	s17 =	sadd.s32 s17, s20;
	s18 =	sand.u32 $0x3FFFFFFF, s18  }
0x1e: {  	[hbm4b:s17+s31] =	stream.strided.scatter [tilespmem:s16], [sflag:$0x2], s18, s8, s31, $0x20;
	[tilespmem:$0x10100] =	vst v63  }
.LBB1_5:
0x1f: {  	p1 =	slt.u32 s13, $0x2  }
0x20: {  	s17 =	smov.u32 s15;
	p2 =	sgt.s32 @!p1 s15, $0xCA0;
	s16 =	sshra.s32 @!p1 s15, $0x1F  }
0x21: {  	p3 =	sgt.s32 @!p1 s14, $0xF80;
	s18 =	sshra.s32 @!p1 s14, $0x1F;
	p2 =	por !p2, p1  }
0x22: {  	s15 =	sand.u32 @!p1 s16, s15;
	p3 =	por !p3, p1;
	s16 =	smov.u32 s14  }
0x23: {  	s14 =	sand.u32 @!p1 s18, s14;
	s17 =	simm.s32 @p2 $0xCA0;
	s16 =	simm.s32 @p3 $0xF80  }
0x24: {  	s15 =	ssub.s32 @!p1 s17, s15;
	s14 =	ssub.s32 @!p1 s16, s14  }
0x25: {  	s18 =	smov.u32 s12;
	s16 =	sadd.s32 @!p1 $0xFFFFF360, s15;
	s17 =	sadd.s32 @!p1 $0xFFFFF080, s14  }
0x26: {  	s15 =	ssub.s32 @!p1 $0xD20, s15;
	p2 =	sgt.s32 @!p1 s16, $0x7F;
	p3 =	sgt.s32 @!p1 s17, $0x7F  }
0x27: {  	s14 =	ssub.s32 @!p1 $0x1000, s14;
	p2 =	por !p2, p1;
	p3 =	por !p3, p1  }
0x28: {  	s16 =	sadd.s32 $0x80, s11;
	s15 =	simm.s32 @!p2 $0x0;
	s14 =	simm.s32 @!p3 $0x0  }
0x29: {  	p2 =	sgt.s32 s16, $0xD19;
	s14 =	smul.u32 @!p1 s14, s15;
	s15 =	sadd.s32 $0x1000, s12  }
0x2a: {  	s18 =	smov.u32 @p2 s15  }
0x2b: {  	s16 =	simm.s32 @p2 $0x0;
	p2 =	sgt.s32 s18, $0xFFF  }
0x2c: {  	s18 =	smov.u32 @p2 s2;
	p2 =	sne.s32 s13, s7  }
.Ltmp1:
0x2d: {  	p0 =	por !p0, !p0;
	s17 =	simm.s32 @!p1 $0x2;
	(pc) =	sbr.rel @!p2 .LBB1_6-.Ltmp1, $4  }
0x2e: {  	s15 =	smov.u32 s9;
	s9 =	smov.u32 s11;
	s14 =	sand.u32 @!p1 $0x3FFFFFFF, s14  }
0x2f: {  	s11 =	smov.u32 s16;
	_ =	swait.ge @!p1 [sflag:s17], s14;
	s19 =	ssub.s32 @!p1 $0x0, s14  }
0x30: {  	s14 =	smov.u32 s10;
	s13 =	sadd.s32 $0x1, s13;
	[sflag:s17] =	ssyncset.done @!p1 $0x0  }
0x31: {  	s10 =	smov.u32 s12;
	s12 =	smov.u32 s18;
	[sflag:s17] =	ssyncadd.s32 @!p1 s19  }
.LBB1_1:
0x32: {  	p1 =	sge.u32 s13, s5  }
0x33: {  	s16 =	sshrl.u32 @!p1 s12, $0x3  }
0x34: {  	s17 =	sshll.u32 @!p1 s11, $0x3;
	s16 =	smul.u32 @!p1 $0x6C00, s16  }
0x35: {  	s18 =	sshll.u32 @!p1 s12, $0x7;
	s17 =	sand.u32 @!p1 $0xFFFFFC00, s17  }
0x36: {  	s16 =	sadd.s32 @!p1 s16, s17;
	s17 =	sand.u32 @!p1 $0x380, s18  }
0x37: {  	s16 =	sor.u32 @!p1 s17, s16  }
0x38: {  	s17 =	sshrl.u32 @!p1 s16, $0x7  }
0x39: {  	s17 =	smulhi.u32 @!p1 $0x97B425F, s17;
	_ =	sdelay $0x1  }
0x3a: {  	s18 =	sand.u32 @!p1 $0x7F, s11;
	s19 =	smul.u32 @!p1 $0xD80, s17  }
0x3b: {  	s31 =	sadd.s32 $0xFFFFFFFF, s13;
	s16 =	sor.u32 @!p1 s18, s16;
	s18 =	sxor.u32 @!p1 $0xFFFFFFFF, s13  }
0x3c: {  	s18 =	sshll.u32 @!p1 s18, $0xE;
	s17 =	sand.u32 @!p1 $0xFFF, s17;
	s16 =	ssub.s32 @!p1 s16, s19  }
0x3d: {  	s17 =	smul.u32 @!p1 $0x1B0, s17;
	s19 =	sshrl.u32 @!p1 s16, $0x3;
	s16 =	sand.u32 @!p1 $0x7, s16  }
0x3e: {  	s18 =	sand.u32 @!p1 $0x4000, s18;
	s19 =	sadd.s32 @!p1 s6, s19;
	s16 =	sshll.u32 @!p1 s16, $0x12  }
0x3f: {  	s17 =	sadd.s32 @!p1 s17, s19;
	s16 =	sor.u32 @!p1 $0x400, s16;
	s19 =	simm.s32 @!p1 $0x6C00  }
0x40: {  	[tilespmem:s18], [sflag:$0x1] =	stream.strided.gather @!p1 [hbm4b:s17+s16], $0x4000, s19, s16, $0x38;
	[tilespmem:$0x10100] =	vst v63  }
0x41: {  	p1 =	sge.u32 s31, s5  }
.Ltmp2:
0x42: {  	_ = 	snop;
	(pc) =	sbr.rel @p1 .LBB1_5-.Ltmp2, $1  }
0x43: {  	_ =	sdelay $0x3  }
0x44: {  	s16 =	simm.s32 $0x1  }
0x45: {  	_ =	swait.ge [sflag:s4], $0x4000;
	s16 =	simm.s32 @!p0 $0x0  }
0x46: {  	[sflag:s4] =	ssyncset.done $0x0;
	s17 =	sshll.u32 s16, $0xE  }
0x47: {  	[sflag:s4] =	ssyncadd.s32 $0xFFFFC000;
	s17 =	sor.u32 $0x40, s17  }
0x48: {  	s16 =	smul.u32 $0x10200, s16;
	v0 =	vld [tilespmem:s17+$0x30]  }
0x49: {  	v1 =	vld [tilespmem:s17+$0xFFFFFFD0]  }
0x4a: {  	s16 =	sshrl.u32 s16, $0x2;
	v5 =	vld [tilespmem:s17+$0xFFFFFFE0]  }
0x4b: {  	v6 =	vld [tilespmem:s17+$0xFFFFFFF0];
	s19 =	sor.u32 $0x8000, s16  }
0x4c: {  	s31 =	sand.u32 $0x1, s13;
	v4 =	vld [tilespmem:s17+$0x0];
	s18 =	sadd.s32 $0x0, s19  }
0x4d: {  	v3 =	vld [tilespmem:s17+$0x10];
	s16 =	smul.u32 $0x10200, s31;
	[tilespmem:s18+$0x3870 ss:$0x81] =	vst.msk $0xffff, v0  }
0x4e: {  	v2 =	vld [tilespmem:s17+$0x20];
	[tilespmem:s18+$0x810 ss:$0x81] =	vst.msk $0xffff, v1  }
0x4f: {  	s16 =	sshrl.u32 s16, $0x2;
	v1 =	vld [tilespmem:s17+$0xFFFFFFC0];
	[tilespmem:s18+$0x1020 ss:$0x81] =	vst.msk $0xffff, v5;
	s17 =	sadd.s32 $0x80, s17  }
0x50: {  	s20 =	simm.s32 $0x4;
	s21 =	simm.s32 $0x8;
	s16 =	sor.u32 $0x8000, s16;
	[tilespmem:s18+$0x1830 ss:$0x81] =	vst.msk $0xffff, v6;
	v0 =	vld [tilespmem:s17+$0x30]  }
.LBB1_3:
0x51: {  	p1 =	sne.s32 s21, $0x1FC;
	v5 =	vld [tilespmem:s17+$0xFFFFFFD0];
	[tilespmem:s18+$0x2040 ss:$0x81] =	vst.msk $0xffff, v4  }
0x52: {  	v6 =	vld [tilespmem:s17+$0xFFFFFFE0];
	[tilespmem:s18+$0x2850 ss:$0x81] =	vst.msk $0xffff, v3  }
0x53: {  	s22 =	sshra.s32 s20, $0x2;
	s20 =	smov.u32 s21;
	v7 =	vld [tilespmem:s17+$0xFFFFFFF0];
	[tilespmem:s18+$0x3060 ss:$0x81] =	vst.msk $0xffff, v2  }
.Ltmp3:
0x54: {  	v4 =	vld [tilespmem:s17+$0x0];
	[tilespmem:s18+$0x0 ss:$0x81] =	vst.msk $0xffff, v1;
	s18 =	sadd.s32 s22, s19;
	(pc) =	sbr.rel @p1 .LBB1_3-.Ltmp3, $4  }
0x55: {  	v3 =	vld [tilespmem:s17+$0x10];
	[tilespmem:s18+$0x3870 ss:$0x81] =	vst.msk $0xffff, v0  }
0x56: {  	[tilespmem:s18+$0x810 ss:$0x81] =	vst.msk $0xffff, v5;
	v2 =	vld [tilespmem:s17+$0x20]  }
0x57: {  	v1 =	vld [tilespmem:s17+$0xFFFFFFC0];
	[tilespmem:s18+$0x1020 ss:$0x81] =	vst.msk $0xffff, v6;
	s17 =	sadd.s32 $0x80, s17  }
0x58: {  	s21 =	sadd.s32 $0x4, s21;
	v0 =	vld [tilespmem:s17+$0x30];
	[tilespmem:s18+$0x1830 ss:$0x81] =	vst.msk $0xffff, v7  }
.Ltmp4:
0x59: {  	_ = 	snop;
	(pc) =	sbr.rel .LBB1_4-.Ltmp4, $1  }
0x5a: {  	_ =	sdelay $0x3  }
.LBB1_6:
0x5b: {  	_ =	sfence.sel $0x180000  }
0x5c: {  	s2 =	simm.s32 $0x1;
	[bflag:$0x0] =	sbarrier.arrive $0xFFFF  }
0x5d: {  	s31 =	simm.s32 $0x2;
	[sflag:s2] =	ssyncpa.u1 $0x1  }
0x5e: {  	[sflag:s31] =	ssyncpa.u1 $0x1  }
0x5f: {  	p0 =	sne.s32 s0, $0x0;
	_ =	strace $0x9000004A  }
0x60: {  	s0 =	sadd.s32 @!p0 $0x100000, s1;
	[bflag:$0x2] =	sbarrier.arrive $0xFFFF  }
0x61: {  	[sflag:s0] =	ssyncadd.tile.s32 @!p0 $0x1;
	_ =	shalt  }
.Lfunc_end1:
_tile_overlayer_lowered:
.L_overlay_start_2:
0x62: {  	(tag) =	ssettag $0x2  }
0x63: {  	s0 =	rddreg [dreg:$0x0];
	s2 =	stileid.u32  }
0x64: {  	s1 =	rddreg [dreg:$0x1];
	p0 =	sne.s32 s2, $0x0  }
0x65: {  	s3 =	rddreg [dreg:$0x2];
	[bflag:$0x3] =	sbarrier.arrive $0xFFFF;
	s2 =	simm.s32 @!p0 $0x1C01  }
0x66: {  	[timem:s3], [sflag:s2] =	dma.local @!p0 [hbm:s0], s1  }
0x67: {  	s0 =	simm.s32 @!p0 $0x1  }
0x68: {  	_ =	swait.ge @!p0 [sflag:s0], s1  }
0x69: {  	s1 =	ssub.s32 @!p0 $0x0, s1;
	[sflag:s0] =	ssyncset.done @!p0 $0x0  }
0x6a: {  	[sflag:s0] =	ssyncadd.s32 @!p0 s1  }
0x6b: {  	[bflag:$0x3] =	sbarrier.arrive $0xFFFF  }
0x6c: {  	_ =	shalt  }

</sc_bundles>
